<compile_context>
chip_gen: v7x
topology: tpu7x:2x2x1
jax: 0.10.2.dev20260603
libtpu: 0.0.44.dev20260713+nightly
codegen_flags: <defaults>
</compile_context>

<pallas_src>
import functools

import jax
import jax.numpy as jnp
from jax import lax
from jax.experimental import pallas as pl
from jax.experimental.pallas import tpu as pltpu
from jax.experimental.pallas import tpu_sc as plsc

N = 16384
C = 256
H = 1024
OUT = 512
BLK = 1024
NBLK = N // BLK
NW = 32
ROWS_W = N // NW
CH = 64
NCH = ROWS_W // CH


def _sc_mesh():
    return plsc.VectorSubcoreMesh(core_axis_name="c", subcore_axis_name="s")


def _sc_gather4(order, ia, if_, it, im, tab_a, tab_o, tab_m, bounds_rep):

    @functools.partial(
        pl.kernel,
        mesh=_sc_mesh(),
        out_type=[jax.ShapeDtypeStruct((N, C), jnp.float32) for _ in range(4)],
        scratch_types=(
            [pltpu.VMEM((CH,), jnp.int32) for _ in range(5)]
            + [pltpu.VMEM((CH, C), jnp.float32) for _ in range(4)]
            + [pltpu.SemaphoreType.DMA for _ in range(5)]
            + [pltpu.VMEM((32,), jnp.int32)]
        ),
    )
    def k(ord_h, ia_h, if_h, it_h, im_h, ta_h, to_h, tm_h, bnd_h,
          oa_h, of_h, ot_h, om_h,
          ov, iv0, iv1, iv2, iv3, rv0, rv1, rv2, rv3,
          so, s0, s1, s2, s3, bv):
        wid = lax.axis_index("s") * 2 + lax.axis_index("c")
        pltpu.sync_copy(bnd_h, bv)
        b1 = bv[pl.ds(0, 16)][0]
        b2 = bv[pl.ds(16, 16)][0]

        def chunk(c, carry):
            off = (c * NW + wid) * CH

            @pl.when(off + CH > b1)
            def _():
                pltpu.sync_copy(ord_h.at[pl.ds(off, CH)], ov)
                g0 = pltpu.async_copy(ia_h.at[ov], iv0, so)
                g3 = pltpu.async_copy(im_h.at[ov], iv3, s0)
                g0.wait()
                g3.wait()
                c0 = pltpu.async_copy(ta_h.at[iv0], rv0, s0)
                c3 = pltpu.async_copy(tm_h.at[iv3], rv3, s3)

                @pl.when(off < b2)
                def _():
                    g1 = pltpu.async_copy(if_h.at[ov], iv1, s1)
                    g2 = pltpu.async_copy(it_h.at[ov], iv2, s2)
                    g1.wait()
                    g2.wait()
                    c1 = pltpu.async_copy(to_h.at[iv1], rv1, s1)
                    c2 = pltpu.async_copy(to_h.at[iv2], rv2, s2)
                    c1.wait()
                    c2.wait()
                    pltpu.sync_copy(rv1, of_h.at[pl.ds(off, CH)])
                    pltpu.sync_copy(rv2, ot_h.at[pl.ds(off, CH)])

                c0.wait()
                c3.wait()
                pltpu.sync_copy(rv0, oa_h.at[pl.ds(off, CH)])
                pltpu.sync_copy(rv3, om_h.at[pl.ds(off, CH)])

            return carry

        lax.fori_loop(0, NCH, chunk, 0)

    return k(order, ia, if_, it, im, tab_a, tab_o, tab_m, bounds_rep)


def _sc_permute_rows(y, idx):

    @functools.partial(
        pl.kernel,
        mesh=_sc_mesh(),
        out_type=jax.ShapeDtypeStruct((N, OUT), jnp.float32),
        scratch_types=[
            pltpu.VMEM((CH,), jnp.int32),
            pltpu.VMEM((CH,), jnp.int32),
            pltpu.VMEM((CH, OUT), jnp.float32),
            pltpu.VMEM((CH, OUT), jnp.float32),
            pltpu.SemaphoreType.DMA,
            pltpu.SemaphoreType.DMA,
        ],
    )
    def k(y_h, idx_h, out_h, iv0, iv1, rv0, rv1, sm0, sm1):
        wid = lax.axis_index("s") * 2 + lax.axis_index("c")
        base = wid * ROWS_W

        def chunk(c, carry):
            off0 = base + (2 * c) * CH
            off1 = base + (2 * c + 1) * CH
            pltpu.sync_copy(idx_h.at[pl.ds(off0, CH)], iv0)
            pltpu.sync_copy(y_h.at[pl.ds(off0, CH)], rv0)
            sc0 = pltpu.async_copy(rv0, out_h.at[iv0], sm0)
            pltpu.sync_copy(idx_h.at[pl.ds(off1, CH)], iv1)
            pltpu.sync_copy(y_h.at[pl.ds(off1, CH)], rv1)
            sc1 = pltpu.async_copy(rv1, out_h.at[iv1], sm1)
            sc0.wait()
            sc1.wait()
            return carry

        lax.fori_loop(0, NCH // 2, chunk, 0)

    return k(y, idx)


def _tc_mlps(a, f, t, m, bounds, wait_row,
             pw1, pb1, pw2, pb2, tw1, tb1, tw2, tb2, mw1, mb1, mw2, mb2):

    def body(bounds_ref, a_ref, f_ref, t_ref, m_ref, wait_ref,
             pw1a, pw1f, pw1t, pw1m, pb1_r, pw2_r, pb2_r,
             tw1a, tw1m, tb1_r, tw2_r, tb2_r,
             mw1a, mw1m, mb1_r, mw2_r, mb2_r,
             y_ref):
        g = pl.program_id(0)
        start = g * BLK
        end = start + BLK
        b1 = bounds_ref[0]
        b2 = bounds_ref[1]
        b3 = bounds_ref[2]
        row = start + lax.broadcasted_iota(jnp.int32, (BLK, 1), 0)

        y_ref[...] = jnp.broadcast_to(wait_ref[...], (BLK, OUT))

        def mlp(parts, w1s, b1v, w2, b2v):
            acc = None
            for x, w in zip(parts, w1s):
                p = jnp.dot(x.astype(jnp.bfloat16), w[...],
                            preferred_element_type=jnp.float32)
                acc = p if acc is None else acc + p
            hh = acc + b1v[...]
            hh = jnp.where(hh >= 0.0, hh, 0.01 * hh)
            return jnp.dot(hh.astype(jnp.bfloat16), w2[...],
                           preferred_element_type=jnp.float32) + b2v[...]

        @pl.when((start < b2) & (end > b1))
        def _():
            y = mlp([a_ref[...], f_ref[...], t_ref[...], m_ref[...]],
                    [pw1a, pw1f, pw1t, pw1m], pb1_r, pw2_r, pb2_r)
            msk = (row >= b1) & (row < b2)
            y_ref[...] = jnp.where(msk, y, y_ref[...])

        @pl.when((start < b3) & (end > b2))
        def _():
            y = mlp([a_ref[...], m_ref[...]], [tw1a, tw1m], tb1_r, tw2_r, tb2_r)
            msk = (row >= b2) & (row < b3)
            y_ref[...] = jnp.where(msk, y, y_ref[...])

        @pl.when(end > b3)
        def _():
            y = mlp([a_ref[...], m_ref[...]], [mw1a, mw1m], mb1_r, mw2_r, mb2_r)
            y_ref[...] = jnp.where(row >= b3, y, y_ref[...])

    def am_map(g, b):
        lo = jnp.minimum(b[0] // BLK, NBLK - 1)
        return jnp.maximum(g, lo), 0

    def ft_map(g, b):
        lo = jnp.minimum(b[0] // BLK, NBLK - 1)
        hi = jnp.clip((b[1] - 1) // BLK, lo, NBLK - 1)
        return jnp.clip(g, lo, hi), 0

    xspec_am = pl.BlockSpec((BLK, C), am_map)
    xspec_ft = pl.BlockSpec((BLK, C), ft_map)
    wfull = pl.BlockSpec((C, H), lambda g, b: (0, 0))
    w2full = pl.BlockSpec((H, OUT), lambda g, b: (0, 0))
    bvec = pl.BlockSpec((1, H), lambda g, b: (0, 0))
    bvec2 = pl.BlockSpec((1, OUT), lambda g, b: (0, 0))

    grid_spec = pltpu.PrefetchScalarGridSpec(
        num_scalar_prefetch=1,
        grid=(NBLK,),
        in_specs=[
            xspec_am, xspec_ft, xspec_ft, xspec_am,
            bvec2,
            wfull, wfull, wfull, wfull, bvec, w2full, bvec2,
            wfull, wfull, bvec, w2full, bvec2,
            wfull, wfull, bvec, w2full, bvec2,
        ],
        out_specs=pl.BlockSpec((BLK, OUT), lambda g, b: (g, 0)),
    )
    return pl.pallas_call(
        body,
        grid_spec=grid_spec,
        out_shape=jax.ShapeDtypeStruct((N, OUT), jnp.float32),
    )(bounds, a, f, t, m, wait_row,
      pw1[0], pw1[1], pw1[2], pw1[3], pb1, pw2, pb2,
      tw1[0], tw1[1], tb1, tw2, tb2,
      mw1[0], mw1[1], mb1, mw2, mb2)


def kernel(action_type, agv_idx, op_from_idx, op_to_idx, machine_idx, cu_seqlens,
           emb_AGV, emb_operation, emb_machine, wait_emb,
           pick_W1, pick_b1, pick_W2, pick_b2,
           trans_W1, trans_b1, trans_W2, trans_b2,
           move_W1, move_b1, move_W2, move_b2):
    at = action_type.astype(jnp.int32)
    order = jnp.argsort(at).astype(jnp.int32)
    sorted_t = jnp.take(at, order)
    bounds = jnp.searchsorted(sorted_t, jnp.arange(1, 4, dtype=jnp.int32)).astype(jnp.int32)

    bounds_rep = jnp.repeat(bounds[:2], 16).astype(jnp.int32)
    a, f, t, m = _sc_gather4(order, agv_idx.astype(jnp.int32),
                             op_from_idx.astype(jnp.int32),
                             op_to_idx.astype(jnp.int32),
                             machine_idx.astype(jnp.int32),
                             emb_AGV, emb_operation, emb_machine, bounds_rep)

    bf = jnp.bfloat16
    pw1 = [pick_W1[i * C:(i + 1) * C].astype(bf) for i in range(4)]
    tw1 = [trans_W1[i * C:(i + 1) * C].astype(bf) for i in range(2)]
    mw1 = [move_W1[i * C:(i + 1) * C].astype(bf) for i in range(2)]

    y_sorted = _tc_mlps(
        a, f, t, m, bounds, wait_emb.reshape(1, OUT),
        pw1, pick_b1.reshape(1, H), pick_W2.astype(bf), pick_b2.reshape(1, OUT),
        tw1, trans_b1.reshape(1, H), trans_W2.astype(bf), trans_b2.reshape(1, OUT),
        mw1, move_b1.reshape(1, H), move_W2.astype(bf), move_b2.reshape(1, OUT))

    return _sc_permute_rows(y_sorted, order)

# --- scband reference (transcript-rebuilt; emitter-appended) ---
"""Pipeline reference for scband-action-encoder-7791070675549 (READ-ONLY COPY).

The authoritative reference and input builder live on the scoring server;
editing this copy changes nothing except your own understanding.
"""

import jax, jax.numpy as jnp
import numpy as np

B = 16
N = 16384  # total flattened actions across the ragged batch
OUT = 512
C_OP, C_MACH, C_AGV = 256, 256, 256
N_AGV, N_OP, N_MACH = 4096, 16384, 8192


def _linear_params(key, fan_in, fan_out):
    kw, kb = jax.random.split(key)
    lim = 1.0 / np.sqrt(fan_in)
    W = jax.random.uniform(kw, (fan_in, fan_out), minval=-lim, maxval=lim, dtype=jnp.float32)
    b = jax.random.uniform(kb, (fan_out,), minval=-lim, maxval=lim, dtype=jnp.float32)
    return W, b


def setup_inputs(seed: int = 0) -> dict:
    key = jax.random.key(seed)
    ks = jax.random.split(key, 16)
    inp = {}
    inp["action_type"] = jax.random.randint(ks[0], (N,), 0, 4, dtype=jnp.int64) if jax.config.jax_enable_x64 else jax.random.randint(ks[0], (N,), 0, 4).astype(jnp.int32)
    inp["agv_idx"] = jax.random.randint(ks[1], (N,), 0, N_AGV)
    inp["op_from_idx"] = jax.random.randint(ks[2], (N,), 0, N_OP)
    inp["op_to_idx"] = jax.random.randint(ks[3], (N,), 0, N_OP)
    inp["machine_idx"] = jax.random.randint(ks[4], (N,), 0, N_MACH)
    inp["cu_seqlens"] = jnp.sort(jax.random.randint(ks[5], (B + 1,), 0, N)).astype(jnp.int32)
    inp["emb_AGV"] = jax.random.normal(ks[6], (N_AGV, C_AGV), dtype=jnp.float32)
    inp["emb_operation"] = jax.random.normal(ks[7], (N_OP, C_OP), dtype=jnp.float32)
    inp["emb_machine"] = jax.random.normal(ks[8], (N_MACH, C_MACH), dtype=jnp.float32)
    # learned parameters
    inp["wait_emb"] = jnp.zeros((OUT,), dtype=jnp.float32)
    pick_in = C_AGV + C_OP + C_OP + C_MACH
    inp["pick_W1"], inp["pick_b1"] = _linear_params(ks[9], pick_in, OUT * 2)
    inp["pick_W2"], inp["pick_b2"] = _linear_params(ks[10], OUT * 2, OUT)
    tm_in = C_MACH + C_AGV
    inp["trans_W1"], inp["trans_b1"] = _linear_params(ks[11], tm_in, OUT * 2)
    inp["trans_W2"], inp["trans_b2"] = _linear_params(ks[12], OUT * 2, OUT)
    inp["move_W1"], inp["move_b1"] = _linear_params(ks[13], tm_in, OUT * 2)
    inp["move_W2"], inp["move_b2"] = _linear_params(ks[14], OUT * 2, OUT)
    return inp


def reference(action_type, agv_idx, op_from_idx, op_to_idx, machine_idx, cu_seqlens,
              emb_AGV, emb_operation, emb_machine, wait_emb,
              pick_W1, pick_b1, pick_W2, pick_b2,
              trans_W1, trans_b1, trans_W2, trans_b2,
              move_W1, move_b1, move_W2, move_b2):
    # gather per-action node embeddings (equivalent of offsets + idx_mapper lookups)
    AGV = jnp.take(emb_AGV, agv_idx, axis=0)
    opf = jnp.take(emb_operation, op_from_idx, axis=0)
    opt = jnp.take(emb_operation, op_to_idx, axis=0)
    mach = jnp.take(emb_machine, machine_idx, axis=0)

    pick_in = jnp.concatenate([AGV, opf, opt, mach], axis=1)
    pick_out = jax.nn.leaky_relu(pick_in @ pick_W1 + pick_b1, negative_slope=0.01) @ pick_W2 + pick_b2

    tm_in = jnp.concatenate([AGV, mach], axis=1)
    trans_out = jax.nn.leaky_relu(tm_in @ trans_W1 + trans_b1, negative_slope=0.01) @ trans_W2 + trans_b2
    move_out = jax.nn.leaky_relu(tm_in @ move_W1 + move_b1, negative_slope=0.01) @ move_W2 + move_b2

    wait = jnp.broadcast_to(wait_emb, (pick_out.shape[0], wait_emb.shape[0]))

    t = action_type[:, None]
    out = jnp.where(t == 0, wait,
          jnp.where(t == 1, pick_out,
          jnp.where(t == 2, trans_out, move_out)))
    # flat [N, OUT]; per-batch ragged views are delimited by cu_seqlens
    return out

if __name__ == "__main__":
    import jax
    _d = setup_inputs()
    print(jax.jit(kernel)(*tuple(_d.values())))

</pallas_src>

<mosaic_0001>
#map = affine_map<(d0, d1) -> (0)>
#map1 = affine_map<(d0, d1) -> (0, 0)>
module attributes {stable_mosaic.version = 14 : i64} {
  func.func @k(%arg0: i32, %arg1: i32, %arg2: memref<16384xi32, #tpu.memory_space<hbm>>, %arg3: memref<16384xi32, #tpu.memory_space<hbm>>, %arg4: memref<16384xi32, #tpu.memory_space<hbm>>, %arg5: memref<16384xi32, #tpu.memory_space<hbm>>, %arg6: memref<16384xi32, #tpu.memory_space<hbm>>, %arg7: memref<4096x256xf32, #tpu.memory_space<hbm>>, %arg8: memref<16384x256xf32, #tpu.memory_space<hbm>>, %arg9: memref<8192x256xf32, #tpu.memory_space<hbm>>, %arg10: memref<32xi32, #tpu.memory_space<hbm>>, %arg11: memref<16384x256xf32, #tpu.memory_space<hbm>>, %arg12: memref<16384x256xf32, #tpu.memory_space<hbm>>, %arg13: memref<16384x256xf32, #tpu.memory_space<hbm>>, %arg14: memref<16384x256xf32, #tpu.memory_space<hbm>>, %arg15: memref<64xi32, #tpu.memory_space<vmem>>, %arg16: memref<64xi32, #tpu.memory_space<vmem>>, %arg17: memref<64xi32, #tpu.memory_space<vmem>>, %arg18: memref<64xi32, #tpu.memory_space<vmem>>, %arg19: memref<64xi32, #tpu.memory_space<vmem>>, %arg20: memref<64x256xf32, #tpu.memory_space<vmem>>, %arg21: memref<64x256xf32, #tpu.memory_space<vmem>>, %arg22: memref<64x256xf32, #tpu.memory_space<vmem>>, %arg23: memref<64x256xf32, #tpu.memory_space<vmem>>, %arg24: memref<!tpu.dma_semaphore, #tpu.memory_space<semaphore_mem>>, %arg25: memref<!tpu.dma_semaphore, #tpu.memory_space<semaphore_mem>>, %arg26: memref<!tpu.dma_semaphore, #tpu.memory_space<semaphore_mem>>, %arg27: memref<!tpu.dma_semaphore, #tpu.memory_space<semaphore_mem>>, %arg28: memref<!tpu.dma_semaphore, #tpu.memory_space<semaphore_mem>>, %arg29: memref<32xi32, #tpu.memory_space<vmem>>) attributes {dimension_semantics = [#tpu.dimension_semantics<core_parallel>, #tpu.dimension_semantics<subcore_parallel>], iteration_bounds = array<i64: 2, 16>, scalar_prefetch = 0 : i64, scratch_operands = 15 : i64, tpu.core_type = #tpu.core_type<sc_vector_subcore>, window_params = [{transform_indices = #map}, {transform_indices = #map}, {transform_indices = #map}, {transform_indices = #map}, {transform_indices = #map}, {transform_indices = #map1}, {transform_indices = #map1}, {transform_indices = #map1}, {transform_indices = #map}, {transform_indices = #map1}, {transform_indices = #map1}, {transform_indices = #map1}, {transform_indices = #map1}]} {
    %mul3A = arith.constant 2 : i32
    %mul3A_0 = arith.muli %arg1, %mul3A : i32
    %add3A = arith.addi %mul3A_0, %arg0 : i32
    "tpu.region"() ({
      %run_scoped3A = tpu.sem_alloc : memref<!tpu.dma_semaphore, #tpu.memory_space<semaphore_mem>>
      tpu.enqueue_dma source(%arg10 : memref<32xi32, #tpu.memory_space<hbm>>) target(%arg29 : memref<32xi32, #tpu.memory_space<vmem>>) target_semaphore(%run_scoped3A : memref<!tpu.dma_semaphore, #tpu.memory_space<semaphore_mem>>)
      tpu.wait_dma2 semaphore(%run_scoped3A : memref<!tpu.dma_semaphore, #tpu.memory_space<semaphore_mem>>) src(%arg10 : memref<32xi32, #tpu.memory_space<hbm>>) dst(%arg29 : memref<32xi32, #tpu.memory_space<vmem>>)
      tpu.yield
    }) : () -> ()
    %get3A = arith.constant 0 : index
    %get3A_1 = tpu.vector_load %arg29[%get3A] {strides = array<i32>} : memref<32xi32, #tpu.memory_space<vmem>>, vector<16xi32>,
    %get3A_2 = vector.shape_cast %get3A_1 : vector<16xi32> to vector<16xi32>
    %slice3A = vector.extract_strided_slice %get3A_2 {offsets = [0], sizes = [1], strides = [1]} : vector<16xi32> to vector<1xi32>
    %squeeze3A = vector.extract %slice3A[0] : i32 from vector<1xi32>
    %get3A_3 = arith.constant 16 : index
    %get3A_4 = tpu.vector_load %arg29[%get3A_3] {strides = array<i32>} : memref<32xi32, #tpu.memory_space<vmem>>, vector<16xi32>,
    %get3A_5 = vector.shape_cast %get3A_4 : vector<16xi32> to vector<16xi32>
    %slice3A_6 = vector.extract_strided_slice %get3A_5 {offsets = [0], sizes = [1], strides = [1]} : vector<16xi32> to vector<1xi32>
    %squeeze3A_7 = vector.extract %slice3A_6[0] : i32 from vector<1xi32>
    %scan3A = arith.constant 0 : i32
    %scan3A_8 = arith.constant 0 : i32
    %scan3A_9 = arith.constant 8 : i32
    %scan3A_10 = arith.addi %scan3A_8, %scan3A_9 : i32
    %scan3A_11 = arith.constant 1 : i32
    scf.for %scan3A_13 = %scan3A_8 to %scan3A_10 step %scan3A_11  : i32 {
      %mul3A_14 = arith.constant 32 : i32
      %mul3A_15 = arith.muli %scan3A_13, %mul3A_14 : i32
      %add3A_16 = arith.addi %mul3A_15, %add3A : i32
      %mul3A_17 = arith.constant 64 : i32
      %mul3A_18 = arith.muli %add3A_16, %mul3A_17 : i32
      %add3A_19 = arith.constant 64 : i32
      %add3A_20 = arith.addi %mul3A_18, %add3A_19 : i32
      %gt3A = arith.cmpi sgt, %add3A_20, %squeeze3A : i32
      %convert_element_type3A = arith.extui %gt3A : i1 to i32
      %cond3A = arith.constant 0 : i32
      %cond3A_21 = arith.cmpi ne, %convert_element_type3A, %cond3A : i32
      scf.if %cond3A_21 {
        "tpu.region"() ({
          %run_scoped3A = tpu.sem_alloc : memref<!tpu.dma_semaphore, #tpu.memory_space<semaphore_mem>>
          %dma_start3A_43 = tpu.memref_slice %arg2[%mul3A_18] : memref<16384xi32, #tpu.memory_space<hbm>> -> memref<64xi32, #tpu.memory_space<hbm>>
          %dma_start3A_44 = tpu.memref_slice %arg2[%mul3A_18] : memref<16384xi32, #tpu.memory_space<hbm>> -> memref<64xi32, #tpu.memory_space<hbm>>
          tpu.enqueue_dma source(%dma_start3A_44 : memref<64xi32, #tpu.memory_space<hbm>>) target(%arg15 : memref<64xi32, #tpu.memory_space<vmem>>) target_semaphore(%run_scoped3A : memref<!tpu.dma_semaphore, #tpu.memory_space<semaphore_mem>>)
          %dma_wait3A_45 = tpu.memref_slice %arg2[%mul3A_18] : memref<16384xi32, #tpu.memory_space<hbm>> -> memref<64xi32, #tpu.memory_space<hbm>>
          %dma_wait3A_46 = tpu.memref_slice %arg2[%mul3A_18] : memref<16384xi32, #tpu.memory_space<hbm>> -> memref<64xi32, #tpu.memory_space<hbm>>
          tpu.wait_dma2 semaphore(%run_scoped3A : memref<!tpu.dma_semaphore, #tpu.memory_space<semaphore_mem>>) src(%dma_wait3A_46 : memref<64xi32, #tpu.memory_space<hbm>>) dst(%arg15 : memref<64xi32, #tpu.memory_space<vmem>>)
          tpu.yield
        }) : () -> ()
        %dma_start3A = arith.constant 0 : i32
        %dma_start3A_22 = tpu.memref_slice %arg3[%dma_start3A] : memref<16384xi32, #tpu.memory_space<hbm>> -> memref<16384xi32, #tpu.memory_space<hbm>>
        tpu.enqueue_indirect_dma source(%dma_start3A_22 : memref<16384xi32, #tpu.memory_space<hbm>>) target(%arg16 : memref<64xi32, #tpu.memory_space<vmem>>) offsets(%arg15 : memref<64xi32, #tpu.memory_space<vmem>>) semaphore(%arg24 : memref<!tpu.dma_semaphore, #tpu.memory_space<semaphore_mem>>)
        %dma_start3A_23 = arith.constant 0 : i32
        %dma_start3A_24 = tpu.memref_slice %arg6[%dma_start3A_23] : memref<16384xi32, #tpu.memory_space<hbm>> -> memref<16384xi32, #tpu.memory_space<hbm>>
        tpu.enqueue_indirect_dma source(%dma_start3A_24 : memref<16384xi32, #tpu.memory_space<hbm>>) target(%arg19 : memref<64xi32, #tpu.memory_space<vmem>>) offsets(%arg15 : memref<64xi32, #tpu.memory_space<vmem>>) semaphore(%arg25 : memref<!tpu.dma_semaphore, #tpu.memory_space<semaphore_mem>>)
        %dma_wait3A = arith.constant 0 : i32
        %dma_wait3A_25 = tpu.memref_slice %arg3[%dma_wait3A] : memref<16384xi32, #tpu.memory_space<hbm>> -> memref<16384xi32, #tpu.memory_space<hbm>>
        tpu.wait_indirect_dma semaphore(%arg24 : memref<!tpu.dma_semaphore, #tpu.memory_space<semaphore_mem>>) src(%dma_wait3A_25 : memref<16384xi32, #tpu.memory_space<hbm>>) dst(%arg16 : memref<64xi32, #tpu.memory_space<vmem>>)
        %dma_wait3A_26 = arith.constant 0 : i32
        %dma_wait3A_27 = tpu.memref_slice %arg6[%dma_wait3A_26] : memref<16384xi32, #tpu.memory_space<hbm>> -> memref<16384xi32, #tpu.memory_space<hbm>>
        tpu.wait_indirect_dma semaphore(%arg25 : memref<!tpu.dma_semaphore, #tpu.memory_space<semaphore_mem>>) src(%dma_wait3A_27 : memref<16384xi32, #tpu.memory_space<hbm>>) dst(%arg19 : memref<64xi32, #tpu.memory_space<vmem>>)
        %dma_start3A_28 = arith.constant 0 : i32
        %dma_start3A_29 = arith.constant 0 : i32
        %dma_start3A_30 = tpu.memref_slice %arg7[%dma_start3A_28, %dma_start3A_29] : memref<4096x256xf32, #tpu.memory_space<hbm>> -> memref<4096x256xf32, #tpu.memory_space<hbm>>
        tpu.enqueue_indirect_dma source(%dma_start3A_30 : memref<4096x256xf32, #tpu.memory_space<hbm>>) target(%arg20 : memref<64x256xf32, #tpu.memory_space<vmem>>) offsets(%arg16 : memref<64xi32, #tpu.memory_space<vmem>>) semaphore(%arg25 : memref<!tpu.dma_semaphore, #tpu.memory_space<semaphore_mem>>)
        %dma_start3A_31 = arith.constant 0 : i32
        %dma_start3A_32 = arith.constant 0 : i32
        %dma_start3A_33 = tpu.memref_slice %arg9[%dma_start3A_31, %dma_start3A_32] : memref<8192x256xf32, #tpu.memory_space<hbm>> -> memref<8192x256xf32, #tpu.memory_space<hbm>>
        tpu.enqueue_indirect_dma source(%dma_start3A_33 : memref<8192x256xf32, #tpu.memory_space<hbm>>) target(%arg23 : memref<64x256xf32, #tpu.memory_space<vmem>>) offsets(%arg19 : memref<64xi32, #tpu.memory_space<vmem>>) semaphore(%arg28 : memref<!tpu.dma_semaphore, #tpu.memory_space<semaphore_mem>>)
        %lt3A = arith.cmpi slt, %mul3A_18, %squeeze3A_7 : i32
        %convert_element_type3A_34 = arith.extui %lt3A : i1 to i32
        %cond3A_35 = arith.constant 0 : i32
        %cond3A_36 = arith.cmpi ne, %convert_element_type3A_34, %cond3A_35 : i32
        scf.if %cond3A_36 {
          %dma_start3A_43 = arith.constant 0 : i32
          %dma_start3A_44 = tpu.memref_slice %arg4[%dma_start3A_43] : memref<16384xi32, #tpu.memory_space<hbm>> -> memref<16384xi32, #tpu.memory_space<hbm>>
          tpu.enqueue_indirect_dma source(%dma_start3A_44 : memref<16384xi32, #tpu.memory_space<hbm>>) target(%arg17 : memref<64xi32, #tpu.memory_space<vmem>>) offsets(%arg15 : memref<64xi32, #tpu.memory_space<vmem>>) semaphore(%arg26 : memref<!tpu.dma_semaphore, #tpu.memory_space<semaphore_mem>>)
          %dma_start3A_45 = arith.constant 0 : i32
          %dma_start3A_46 = tpu.memref_slice %arg5[%dma_start3A_45] : memref<16384xi32, #tpu.memory_space<hbm>> -> memref<16384xi32, #tpu.memory_space<hbm>>
          tpu.enqueue_indirect_dma source(%dma_start3A_46 : memref<16384xi32, #tpu.memory_space<hbm>>) target(%arg18 : memref<64xi32, #tpu.memory_space<vmem>>) offsets(%arg15 : memref<64xi32, #tpu.memory_space<vmem>>) semaphore(%arg27 : memref<!tpu.dma_semaphore, #tpu.memory_space<semaphore_mem>>)
          %dma_wait3A_47 = arith.constant 0 : i32
          %dma_wait3A_48 = tpu.memref_slice %arg4[%dma_wait3A_47] : memref<16384xi32, #tpu.memory_space<hbm>> -> memref<16384xi32, #tpu.memory_space<hbm>>
          tpu.wait_indirect_dma semaphore(%arg26 : memref<!tpu.dma_semaphore, #tpu.memory_space<semaphore_mem>>) src(%dma_wait3A_48 : memref<16384xi32, #tpu.memory_space<hbm>>) dst(%arg17 : memref<64xi32, #tpu.memory_space<vmem>>)
          %dma_wait3A_49 = arith.constant 0 : i32
          %dma_wait3A_50 = tpu.memref_slice %arg5[%dma_wait3A_49] : memref<16384xi32, #tpu.memory_space<hbm>> -> memref<16384xi32, #tpu.memory_space<hbm>>
          tpu.wait_indirect_dma semaphore(%arg27 : memref<!tpu.dma_semaphore, #tpu.memory_space<semaphore_mem>>) src(%dma_wait3A_50 : memref<16384xi32, #tpu.memory_space<hbm>>) dst(%arg18 : memref<64xi32, #tpu.memory_space<vmem>>)
          %dma_start3A_51 = arith.constant 0 : i32
          %dma_start3A_52 = arith.constant 0 : i32
          %dma_start3A_53 = tpu.memref_slice %arg8[%dma_start3A_51, %dma_start3A_52] : memref<16384x256xf32, #tpu.memory_space<hbm>> -> memref<16384x256xf32, #tpu.memory_space<hbm>>
          tpu.enqueue_indirect_dma source(%dma_start3A_53 : memref<16384x256xf32, #tpu.memory_space<hbm>>) target(%arg21 : memref<64x256xf32, #tpu.memory_space<vmem>>) offsets(%arg17 : memref<64xi32, #tpu.memory_space<vmem>>) semaphore(%arg26 : memref<!tpu.dma_semaphore, #tpu.memory_space<semaphore_mem>>)
          %dma_start3A_54 = arith.constant 0 : i32
          %dma_start3A_55 = arith.constant 0 : i32
          %dma_start3A_56 = tpu.memref_slice %arg8[%dma_start3A_54, %dma_start3A_55] : memref<16384x256xf32, #tpu.memory_space<hbm>> -> memref<16384x256xf32, #tpu.memory_space<hbm>>
          tpu.enqueue_indirect_dma source(%dma_start3A_56 : memref<16384x256xf32, #tpu.memory_space<hbm>>) target(%arg22 : memref<64x256xf32, #tpu.memory_space<vmem>>) offsets(%arg18 : memref<64xi32, #tpu.memory_space<vmem>>) semaphore(%arg27 : memref<!tpu.dma_semaphore, #tpu.memory_space<semaphore_mem>>)
          %dma_wait3A_57 = arith.constant 0 : i32
          %dma_wait3A_58 = arith.constant 0 : i32
          %dma_wait3A_59 = tpu.memref_slice %arg8[%dma_wait3A_57, %dma_wait3A_58] : memref<16384x256xf32, #tpu.memory_space<hbm>> -> memref<16384x256xf32, #tpu.memory_space<hbm>>
          tpu.wait_indirect_dma semaphore(%arg26 : memref<!tpu.dma_semaphore, #tpu.memory_space<semaphore_mem>>) src(%dma_wait3A_59 : memref<16384x256xf32, #tpu.memory_space<hbm>>) dst(%arg21 : memref<64x256xf32, #tpu.memory_space<vmem>>)
          %dma_wait3A_60 = arith.constant 0 : i32
          %dma_wait3A_61 = arith.constant 0 : i32
          %dma_wait3A_62 = tpu.memref_slice %arg8[%dma_wait3A_60, %dma_wait3A_61] : memref<16384x256xf32, #tpu.memory_space<hbm>> -> memref<16384x256xf32, #tpu.memory_space<hbm>>
          tpu.wait_indirect_dma semaphore(%arg27 : memref<!tpu.dma_semaphore, #tpu.memory_space<semaphore_mem>>) src(%dma_wait3A_62 : memref<16384x256xf32, #tpu.memory_space<hbm>>) dst(%arg22 : memref<64x256xf32, #tpu.memory_space<vmem>>)
          "tpu.region"() ({
            %run_scoped3A = tpu.sem_alloc : memref<!tpu.dma_semaphore, #tpu.memory_space<semaphore_mem>>
            %dma_start3A_63 = arith.constant 0 : i32
            %dma_start3A_64 = tpu.memref_slice %arg12[%mul3A_18, %dma_start3A_63] : memref<16384x256xf32, #tpu.memory_space<hbm>> -> memref<64x256xf32, #tpu.memory_space<hbm>>
            %dma_start3A_65 = arith.constant 0 : i32
            %dma_start3A_66 = tpu.memref_slice %arg12[%mul3A_18, %dma_start3A_65] : memref<16384x256xf32, #tpu.memory_space<hbm>> -> memref<64x256xf32, #tpu.memory_space<hbm>>
            tpu.enqueue_dma source(%arg21 : memref<64x256xf32, #tpu.memory_space<vmem>>) target(%dma_start3A_66 : memref<64x256xf32, #tpu.memory_space<hbm>>) target_semaphore(%run_scoped3A : memref<!tpu.dma_semaphore, #tpu.memory_space<semaphore_mem>>)
            %dma_wait3A_67 = arith.constant 0 : i32
            %dma_wait3A_68 = tpu.memref_slice %arg12[%mul3A_18, %dma_wait3A_67] : memref<16384x256xf32, #tpu.memory_space<hbm>> -> memref<64x256xf32, #tpu.memory_space<hbm>>
            %dma_wait3A_69 = arith.constant 0 : i32
            %dma_wait3A_70 = tpu.memref_slice %arg12[%mul3A_18, %dma_wait3A_69] : memref<16384x256xf32, #tpu.memory_space<hbm>> -> memref<64x256xf32, #tpu.memory_space<hbm>>
            tpu.wait_dma2 semaphore(%run_scoped3A : memref<!tpu.dma_semaphore, #tpu.memory_space<semaphore_mem>>) src(%arg21 : memref<64x256xf32, #tpu.memory_space<vmem>>) dst(%dma_wait3A_70 : memref<64x256xf32, #tpu.memory_space<hbm>>)
            tpu.yield
          }) : () -> ()
          "tpu.region"() ({
            %run_scoped3A = tpu.sem_alloc : memref<!tpu.dma_semaphore, #tpu.memory_space<semaphore_mem>>
            %dma_start3A_63 = arith.constant 0 : i32
            %dma_start3A_64 = tpu.memref_slice %arg13[%mul3A_18, %dma_start3A_63] : memref<16384x256xf32, #tpu.memory_space<hbm>> -> memref<64x256xf32, #tpu.memory_space<hbm>>
            %dma_start3A_65 = arith.constant 0 : i32
            %dma_start3A_66 = tpu.memref_slice %arg13[%mul3A_18, %dma_start3A_65] : memref<16384x256xf32, #tpu.memory_space<hbm>> -> memref<64x256xf32, #tpu.memory_space<hbm>>
            tpu.enqueue_dma source(%arg22 : memref<64x256xf32, #tpu.memory_space<vmem>>) target(%dma_start3A_66 : memref<64x256xf32, #tpu.memory_space<hbm>>) target_semaphore(%run_scoped3A : memref<!tpu.dma_semaphore, #tpu.memory_space<semaphore_mem>>)
            %dma_wait3A_67 = arith.constant 0 : i32
            %dma_wait3A_68 = tpu.memref_slice %arg13[%mul3A_18, %dma_wait3A_67] : memref<16384x256xf32, #tpu.memory_space<hbm>> -> memref<64x256xf32, #tpu.memory_space<hbm>>
            %dma_wait3A_69 = arith.constant 0 : i32
            %dma_wait3A_70 = tpu.memref_slice %arg13[%mul3A_18, %dma_wait3A_69] : memref<16384x256xf32, #tpu.memory_space<hbm>> -> memref<64x256xf32, #tpu.memory_space<hbm>>
            tpu.wait_dma2 semaphore(%run_scoped3A : memref<!tpu.dma_semaphore, #tpu.memory_space<semaphore_mem>>) src(%arg22 : memref<64x256xf32, #tpu.memory_space<vmem>>) dst(%dma_wait3A_70 : memref<64x256xf32, #tpu.memory_space<hbm>>)
            tpu.yield
          }) : () -> ()
        } else {
        }
        %dma_wait3A_37 = arith.constant 0 : i32
        %dma_wait3A_38 = arith.constant 0 : i32
        %dma_wait3A_39 = tpu.memref_slice %arg7[%dma_wait3A_37, %dma_wait3A_38] : memref<4096x256xf32, #tpu.memory_space<hbm>> -> memref<4096x256xf32, #tpu.memory_space<hbm>>
        tpu.wait_indirect_dma semaphore(%arg25 : memref<!tpu.dma_semaphore, #tpu.memory_space<semaphore_mem>>) src(%dma_wait3A_39 : memref<4096x256xf32, #tpu.memory_space<hbm>>) dst(%arg20 : memref<64x256xf32, #tpu.memory_space<vmem>>)
        %dma_wait3A_40 = arith.constant 0 : i32
        %dma_wait3A_41 = arith.constant 0 : i32
        %dma_wait3A_42 = tpu.memref_slice %arg9[%dma_wait3A_40, %dma_wait3A_41] : memref<8192x256xf32, #tpu.memory_space<hbm>> -> memref<8192x256xf32, #tpu.memory_space<hbm>>
        tpu.wait_indirect_dma semaphore(%arg28 : memref<!tpu.dma_semaphore, #tpu.memory_space<semaphore_mem>>) src(%dma_wait3A_42 : memref<8192x256xf32, #tpu.memory_space<hbm>>) dst(%arg23 : memref<64x256xf32, #tpu.memory_space<vmem>>)
        "tpu.region"() ({
          %run_scoped3A = tpu.sem_alloc : memref<!tpu.dma_semaphore, #tpu.memory_space<semaphore_mem>>
          %dma_start3A_43 = arith.constant 0 : i32
          %dma_start3A_44 = tpu.memref_slice %arg11[%mul3A_18, %dma_start3A_43] : memref<16384x256xf32, #tpu.memory_space<hbm>> -> memref<64x256xf32, #tpu.memory_space<hbm>>
          %dma_start3A_45 = arith.constant 0 : i32
          %dma_start3A_46 = tpu.memref_slice %arg11[%mul3A_18, %dma_start3A_45] : memref<16384x256xf32, #tpu.memory_space<hbm>> -> memref<64x256xf32, #tpu.memory_space<hbm>>
          tpu.enqueue_dma source(%arg20 : memref<64x256xf32, #tpu.memory_space<vmem>>) target(%dma_start3A_46 : memref<64x256xf32, #tpu.memory_space<hbm>>) target_semaphore(%run_scoped3A : memref<!tpu.dma_semaphore, #tpu.memory_space<semaphore_mem>>)
          %dma_wait3A_47 = arith.constant 0 : i32
          %dma_wait3A_48 = tpu.memref_slice %arg11[%mul3A_18, %dma_wait3A_47] : memref<16384x256xf32, #tpu.memory_space<hbm>> -> memref<64x256xf32, #tpu.memory_space<hbm>>
          %dma_wait3A_49 = arith.constant 0 : i32
          %dma_wait3A_50 = tpu.memref_slice %arg11[%mul3A_18, %dma_wait3A_49] : memref<16384x256xf32, #tpu.memory_space<hbm>> -> memref<64x256xf32, #tpu.memory_space<hbm>>
          tpu.wait_dma2 semaphore(%run_scoped3A : memref<!tpu.dma_semaphore, #tpu.memory_space<semaphore_mem>>) src(%arg20 : memref<64x256xf32, #tpu.memory_space<vmem>>) dst(%dma_wait3A_50 : memref<64x256xf32, #tpu.memory_space<hbm>>)
          tpu.yield
        }) : () -> ()
        "tpu.region"() ({
          %run_scoped3A = tpu.sem_alloc : memref<!tpu.dma_semaphore, #tpu.memory_space<semaphore_mem>>
          %dma_start3A_43 = arith.constant 0 : i32
          %dma_start3A_44 = tpu.memref_slice %arg14[%mul3A_18, %dma_start3A_43] : memref<16384x256xf32, #tpu.memory_space<hbm>> -> memref<64x256xf32, #tpu.memory_space<hbm>>
          %dma_start3A_45 = arith.constant 0 : i32
          %dma_start3A_46 = tpu.memref_slice %arg14[%mul3A_18, %dma_start3A_45] : memref<16384x256xf32, #tpu.memory_space<hbm>> -> memref<64x256xf32, #tpu.memory_space<hbm>>
          tpu.enqueue_dma source(%arg23 : memref<64x256xf32, #tpu.memory_space<vmem>>) target(%dma_start3A_46 : memref<64x256xf32, #tpu.memory_space<hbm>>) target_semaphore(%run_scoped3A : memref<!tpu.dma_semaphore, #tpu.memory_space<semaphore_mem>>)
          %dma_wait3A_47 = arith.constant 0 : i32
          %dma_wait3A_48 = tpu.memref_slice %arg14[%mul3A_18, %dma_wait3A_47] : memref<16384x256xf32, #tpu.memory_space<hbm>> -> memref<64x256xf32, #tpu.memory_space<hbm>>
          %dma_wait3A_49 = arith.constant 0 : i32
          %dma_wait3A_50 = tpu.memref_slice %arg14[%mul3A_18, %dma_wait3A_49] : memref<16384x256xf32, #tpu.memory_space<hbm>> -> memref<64x256xf32, #tpu.memory_space<hbm>>
          tpu.wait_dma2 semaphore(%run_scoped3A : memref<!tpu.dma_semaphore, #tpu.memory_space<semaphore_mem>>) src(%arg23 : memref<64x256xf32, #tpu.memory_space<vmem>>) dst(%dma_wait3A_50 : memref<64x256xf32, #tpu.memory_space<hbm>>)
          tpu.yield
        }) : () -> ()
      } else {
      }
    }
    %scan3A_12 = arith.constant 8 : i32
    return
  }
}

#map = affine_map<(d0, d1) -> (0, 0)>
#map1 = affine_map<(d0, d1) -> (0)>
module attributes {stable_mosaic.version = 14 : i64} {
  func.func @k(%arg0: i32, %arg1: i32, %arg2: memref<16384x512xf32, #tpu.memory_space<hbm>>, %arg3: memref<16384xi32, #tpu.memory_space<hbm>>, %arg4: memref<16384x512xf32, #tpu.memory_space<hbm>>, %arg5: memref<64xi32, #tpu.memory_space<vmem>>, %arg6: memref<64xi32, #tpu.memory_space<vmem>>, %arg7: memref<64x512xf32, #tpu.memory_space<vmem>>, %arg8: memref<64x512xf32, #tpu.memory_space<vmem>>, %arg9: memref<!tpu.dma_semaphore, #tpu.memory_space<semaphore_mem>>, %arg10: memref<!tpu.dma_semaphore, #tpu.memory_space<semaphore_mem>>) attributes {dimension_semantics = [#tpu.dimension_semantics<core_parallel>, #tpu.dimension_semantics<subcore_parallel>], iteration_bounds = array<i64: 2, 16>, scalar_prefetch = 0 : i64, scratch_operands = 6 : i64, tpu.core_type = #tpu.core_type<sc_vector_subcore>, window_params = [{transform_indices = #map}, {transform_indices = #map1}, {transform_indices = #map}]} {
    %mul3A = arith.constant 2 : i32
    %mul3A_0 = arith.muli %arg1, %mul3A : i32
    %add3A = arith.addi %mul3A_0, %arg0 : i32
    %mul3A_1 = arith.constant 512 : i32
    %mul3A_2 = arith.muli %add3A, %mul3A_1 : i32
    %scan3A = arith.constant 0 : i32
    %scan3A_3 = arith.constant 0 : i32
    %scan3A_4 = arith.constant 4 : i32
    %scan3A_5 = arith.addi %scan3A_3, %scan3A_4 : i32
    %scan3A_6 = arith.constant 1 : i32
    scf.for %scan3A_8 = %scan3A_3 to %scan3A_5 step %scan3A_6  : i32 {
      %mul3A_9 = arith.constant 2 : i32
      %mul3A_10 = arith.muli %mul3A_9, %scan3A_8 : i32
      %mul3A_11 = arith.constant 64 : i32
      %mul3A_12 = arith.muli %mul3A_10, %mul3A_11 : i32
      %add3A_13 = arith.addi %mul3A_2, %mul3A_12 : i32
      %mul3A_14 = arith.constant 2 : i32
      %mul3A_15 = arith.muli %mul3A_14, %scan3A_8 : i32
      %add3A_16 = arith.constant 1 : i32
      %add3A_17 = arith.addi %mul3A_15, %add3A_16 : i32
      %mul3A_18 = arith.constant 64 : i32
      %mul3A_19 = arith.muli %add3A_17, %mul3A_18 : i32
      %add3A_20 = arith.addi %mul3A_2, %mul3A_19 : i32
      "tpu.region"() ({
        %run_scoped3A = tpu.sem_alloc : memref<!tpu.dma_semaphore, #tpu.memory_space<semaphore_mem>>
        %dma_start3A_31 = tpu.memref_slice %arg3[%add3A_13] : memref<16384xi32, #tpu.memory_space<hbm>> -> memref<64xi32, #tpu.memory_space<hbm>>
        %dma_start3A_32 = tpu.memref_slice %arg3[%add3A_13] : memref<16384xi32, #tpu.memory_space<hbm>> -> memref<64xi32, #tpu.memory_space<hbm>>
        tpu.enqueue_dma source(%dma_start3A_32 : memref<64xi32, #tpu.memory_space<hbm>>) target(%arg5 : memref<64xi32, #tpu.memory_space<vmem>>) target_semaphore(%run_scoped3A : memref<!tpu.dma_semaphore, #tpu.memory_space<semaphore_mem>>)
        %dma_wait3A_33 = tpu.memref_slice %arg3[%add3A_13] : memref<16384xi32, #tpu.memory_space<hbm>> -> memref<64xi32, #tpu.memory_space<hbm>>
        %dma_wait3A_34 = tpu.memref_slice %arg3[%add3A_13] : memref<16384xi32, #tpu.memory_space<hbm>> -> memref<64xi32, #tpu.memory_space<hbm>>
        tpu.wait_dma2 semaphore(%run_scoped3A : memref<!tpu.dma_semaphore, #tpu.memory_space<semaphore_mem>>) src(%dma_wait3A_34 : memref<64xi32, #tpu.memory_space<hbm>>) dst(%arg5 : memref<64xi32, #tpu.memory_space<vmem>>)
        tpu.yield
      }) : () -> ()
      "tpu.region"() ({
        %run_scoped3A = tpu.sem_alloc : memref<!tpu.dma_semaphore, #tpu.memory_space<semaphore_mem>>
        %dma_start3A_31 = arith.constant 0 : i32
        %dma_start3A_32 = tpu.memref_slice %arg2[%add3A_13, %dma_start3A_31] : memref<16384x512xf32, #tpu.memory_space<hbm>> -> memref<64x512xf32, #tpu.memory_space<hbm>>
        %dma_start3A_33 = arith.constant 0 : i32
        %dma_start3A_34 = tpu.memref_slice %arg2[%add3A_13, %dma_start3A_33] : memref<16384x512xf32, #tpu.memory_space<hbm>> -> memref<64x512xf32, #tpu.memory_space<hbm>>
        tpu.enqueue_dma source(%dma_start3A_34 : memref<64x512xf32, #tpu.memory_space<hbm>>) target(%arg7 : memref<64x512xf32, #tpu.memory_space<vmem>>) target_semaphore(%run_scoped3A : memref<!tpu.dma_semaphore, #tpu.memory_space<semaphore_mem>>)
        %dma_wait3A_35 = arith.constant 0 : i32
        %dma_wait3A_36 = tpu.memref_slice %arg2[%add3A_13, %dma_wait3A_35] : memref<16384x512xf32, #tpu.memory_space<hbm>> -> memref<64x512xf32, #tpu.memory_space<hbm>>
        %dma_wait3A_37 = arith.constant 0 : i32
        %dma_wait3A_38 = tpu.memref_slice %arg2[%add3A_13, %dma_wait3A_37] : memref<16384x512xf32, #tpu.memory_space<hbm>> -> memref<64x512xf32, #tpu.memory_space<hbm>>
        tpu.wait_dma2 semaphore(%run_scoped3A : memref<!tpu.dma_semaphore, #tpu.memory_space<semaphore_mem>>) src(%dma_wait3A_38 : memref<64x512xf32, #tpu.memory_space<hbm>>) dst(%arg7 : memref<64x512xf32, #tpu.memory_space<vmem>>)
        tpu.yield
      }) : () -> ()
      %dma_start3A = arith.constant 0 : i32
      %dma_start3A_21 = arith.constant 0 : i32
      %dma_start3A_22 = tpu.memref_slice %arg4[%dma_start3A, %dma_start3A_21] : memref<16384x512xf32, #tpu.memory_space<hbm>> -> memref<16384x512xf32, #tpu.memory_space<hbm>>
      tpu.enqueue_indirect_dma source(%arg7 : memref<64x512xf32, #tpu.memory_space<vmem>>) target(%dma_start3A_22 : memref<16384x512xf32, #tpu.memory_space<hbm>>) offsets(%arg5 : memref<64xi32, #tpu.memory_space<vmem>>) semaphore(%arg9 : memref<!tpu.dma_semaphore, #tpu.memory_space<semaphore_mem>>)
      "tpu.region"() ({
        %run_scoped3A = tpu.sem_alloc : memref<!tpu.dma_semaphore, #tpu.memory_space<semaphore_mem>>
        %dma_start3A_31 = tpu.memref_slice %arg3[%add3A_20] : memref<16384xi32, #tpu.memory_space<hbm>> -> memref<64xi32, #tpu.memory_space<hbm>>
        %dma_start3A_32 = tpu.memref_slice %arg3[%add3A_20] : memref<16384xi32, #tpu.memory_space<hbm>> -> memref<64xi32, #tpu.memory_space<hbm>>
        tpu.enqueue_dma source(%dma_start3A_32 : memref<64xi32, #tpu.memory_space<hbm>>) target(%arg6 : memref<64xi32, #tpu.memory_space<vmem>>) target_semaphore(%run_scoped3A : memref<!tpu.dma_semaphore, #tpu.memory_space<semaphore_mem>>)
        %dma_wait3A_33 = tpu.memref_slice %arg3[%add3A_20] : memref<16384xi32, #tpu.memory_space<hbm>> -> memref<64xi32, #tpu.memory_space<hbm>>
        %dma_wait3A_34 = tpu.memref_slice %arg3[%add3A_20] : memref<16384xi32, #tpu.memory_space<hbm>> -> memref<64xi32, #tpu.memory_space<hbm>>
        tpu.wait_dma2 semaphore(%run_scoped3A : memref<!tpu.dma_semaphore, #tpu.memory_space<semaphore_mem>>) src(%dma_wait3A_34 : memref<64xi32, #tpu.memory_space<hbm>>) dst(%arg6 : memref<64xi32, #tpu.memory_space<vmem>>)
        tpu.yield
      }) : () -> ()
      "tpu.region"() ({
        %run_scoped3A = tpu.sem_alloc : memref<!tpu.dma_semaphore, #tpu.memory_space<semaphore_mem>>
        %dma_start3A_31 = arith.constant 0 : i32
        %dma_start3A_32 = tpu.memref_slice %arg2[%add3A_20, %dma_start3A_31] : memref<16384x512xf32, #tpu.memory_space<hbm>> -> memref<64x512xf32, #tpu.memory_space<hbm>>
        %dma_start3A_33 = arith.constant 0 : i32
        %dma_start3A_34 = tpu.memref_slice %arg2[%add3A_20, %dma_start3A_33] : memref<16384x512xf32, #tpu.memory_space<hbm>> -> memref<64x512xf32, #tpu.memory_space<hbm>>
        tpu.enqueue_dma source(%dma_start3A_34 : memref<64x512xf32, #tpu.memory_space<hbm>>) target(%arg8 : memref<64x512xf32, #tpu.memory_space<vmem>>) target_semaphore(%run_scoped3A : memref<!tpu.dma_semaphore, #tpu.memory_space<semaphore_mem>>)
        %dma_wait3A_35 = arith.constant 0 : i32
        %dma_wait3A_36 = tpu.memref_slice %arg2[%add3A_20, %dma_wait3A_35] : memref<16384x512xf32, #tpu.memory_space<hbm>> -> memref<64x512xf32, #tpu.memory_space<hbm>>
        %dma_wait3A_37 = arith.constant 0 : i32
        %dma_wait3A_38 = tpu.memref_slice %arg2[%add3A_20, %dma_wait3A_37] : memref<16384x512xf32, #tpu.memory_space<hbm>> -> memref<64x512xf32, #tpu.memory_space<hbm>>
        tpu.wait_dma2 semaphore(%run_scoped3A : memref<!tpu.dma_semaphore, #tpu.memory_space<semaphore_mem>>) src(%dma_wait3A_38 : memref<64x512xf32, #tpu.memory_space<hbm>>) dst(%arg8 : memref<64x512xf32, #tpu.memory_space<vmem>>)
        tpu.yield
      }) : () -> ()
      %dma_start3A_23 = arith.constant 0 : i32
      %dma_start3A_24 = arith.constant 0 : i32
      %dma_start3A_25 = tpu.memref_slice %arg4[%dma_start3A_23, %dma_start3A_24] : memref<16384x512xf32, #tpu.memory_space<hbm>> -> memref<16384x512xf32, #tpu.memory_space<hbm>>
      tpu.enqueue_indirect_dma source(%arg8 : memref<64x512xf32, #tpu.memory_space<vmem>>) target(%dma_start3A_25 : memref<16384x512xf32, #tpu.memory_space<hbm>>) offsets(%arg6 : memref<64xi32, #tpu.memory_space<vmem>>) semaphore(%arg10 : memref<!tpu.dma_semaphore, #tpu.memory_space<semaphore_mem>>)
      %dma_wait3A = arith.constant 0 : i32
      %dma_wait3A_26 = arith.constant 0 : i32
      %dma_wait3A_27 = tpu.memref_slice %arg4[%dma_wait3A, %dma_wait3A_26] : memref<16384x512xf32, #tpu.memory_space<hbm>> -> memref<16384x512xf32, #tpu.memory_space<hbm>>
      tpu.wait_indirect_dma semaphore(%arg9 : memref<!tpu.dma_semaphore, #tpu.memory_space<semaphore_mem>>) src(%arg7 : memref<64x512xf32, #tpu.memory_space<vmem>>) dst(%dma_wait3A_27 : memref<16384x512xf32, #tpu.memory_space<hbm>>)
      %dma_wait3A_28 = arith.constant 0 : i32
      %dma_wait3A_29 = arith.constant 0 : i32
      %dma_wait3A_30 = tpu.memref_slice %arg4[%dma_wait3A_28, %dma_wait3A_29] : memref<16384x512xf32, #tpu.memory_space<hbm>> -> memref<16384x512xf32, #tpu.memory_space<hbm>>
      tpu.wait_indirect_dma semaphore(%arg10 : memref<!tpu.dma_semaphore, #tpu.memory_space<semaphore_mem>>) src(%arg8 : memref<64x512xf32, #tpu.memory_space<vmem>>) dst(%dma_wait3A_30 : memref<16384x512xf32, #tpu.memory_space<hbm>>)
    }
    %scan3A_7 = arith.constant 4 : i32
    return
  }
}

module attributes {stable_mosaic.version = 14 : i64} {
  func.func @body(%arg0: i32, %arg1: memref<3xi32, #tpu.memory_space<smem>>, %arg2: memref<1024x256xf32, #tpu.memory_space<vmem>>, %arg3: memref<1024x256xf32, #tpu.memory_space<vmem>>, %arg4: memref<1024x256xf32, #tpu.memory_space<vmem>>, %arg5: memref<1024x256xf32, #tpu.memory_space<vmem>>, %arg6: memref<1x512xf32, #tpu.memory_space<vmem>>, %arg7: memref<256x1024xbf16, #tpu.memory_space<vmem>>, %arg8: memref<256x1024xbf16, #tpu.memory_space<vmem>>, %arg9: memref<256x1024xbf16, #tpu.memory_space<vmem>>, %arg10: memref<256x1024xbf16, #tpu.memory_space<vmem>>, %arg11: memref<1x1024xf32, #tpu.memory_space<vmem>>, %arg12: memref<1024x512xbf16, #tpu.memory_space<vmem>>, %arg13: memref<1x512xf32, #tpu.memory_space<vmem>>, %arg14: memref<256x1024xbf16, #tpu.memory_space<vmem>>, %arg15: memref<256x1024xbf16, #tpu.memory_space<vmem>>, %arg16: memref<1x1024xf32, #tpu.memory_space<vmem>>, %arg17: memref<1024x512xbf16, #tpu.memory_space<vmem>>, %arg18: memref<1x512xf32, #tpu.memory_space<vmem>>, %arg19: memref<256x1024xbf16, #tpu.memory_space<vmem>>, %arg20: memref<256x1024xbf16, #tpu.memory_space<vmem>>, %arg21: memref<1x1024xf32, #tpu.memory_space<vmem>>, %arg22: memref<1024x512xbf16, #tpu.memory_space<vmem>>, %arg23: memref<1x512xf32, #tpu.memory_space<vmem>>, %arg24: memref<1024x512xf32, #tpu.memory_space<vmem>>) attributes {dimension_semantics = [#tpu.dimension_semantics<arbitrary>], iteration_bounds = array<i64: 16>, scalar_prefetch = 1 : i64, scratch_operands = 0 : i64, tpu.core_type = #tpu.core_type<tc>, window_params = [{transform_indices = @transform_0, window_bounds = array<i64: 1024, 256>}, {transform_indices = @transform_1, window_bounds = array<i64: 1024, 256>}, {transform_indices = @transform_2, window_bounds = array<i64: 1024, 256>}, {transform_indices = @transform_3, window_bounds = array<i64: 1024, 256>}, {pipeline_mode = #tpu.pipeline_mode<synchronous>, transform_indices = @transform_4, window_bounds = array<i64: 1, 512>}, {pipeline_mode = #tpu.pipeline_mode<synchronous>, transform_indices = @transform_5, window_bounds = array<i64: 256, 1024>}, {pipeline_mode = #tpu.pipeline_mode<synchronous>, transform_indices = @transform_6, window_bounds = array<i64: 256, 1024>}, {pipeline_mode = #tpu.pipeline_mode<synchronous>, transform_indices = @transform_7, window_bounds = array<i64: 256, 1024>}, {pipeline_mode = #tpu.pipeline_mode<synchronous>, transform_indices = @transform_8, window_bounds = array<i64: 256, 1024>}, {pipeline_mode = #tpu.pipeline_mode<synchronous>, transform_indices = @transform_9, window_bounds = array<i64: 1, 1024>}, {pipeline_mode = #tpu.pipeline_mode<synchronous>, transform_indices = @transform_10, window_bounds = array<i64: 1024, 512>}, {pipeline_mode = #tpu.pipeline_mode<synchronous>, transform_indices = @transform_11, window_bounds = array<i64: 1, 512>}, {pipeline_mode = #tpu.pipeline_mode<synchronous>, transform_indices = @transform_12, window_bounds = array<i64: 256, 1024>}, {pipeline_mode = #tpu.pipeline_mode<synchronous>, transform_indices = @transform_13, window_bounds = array<i64: 256, 1024>}, {pipeline_mode = #tpu.pipeline_mode<synchronous>, transform_indices = @transform_14, window_bounds = array<i64: 1, 1024>}, {pipeline_mode = #tpu.pipeline_mode<synchronous>, transform_indices = @transform_15, window_bounds = array<i64: 1024, 512>}, {pipeline_mode = #tpu.pipeline_mode<synchronous>, transform_indices = @transform_16, window_bounds = array<i64: 1, 512>}, {pipeline_mode = #tpu.pipeline_mode<synchronous>, transform_indices = @transform_17, window_bounds = array<i64: 256, 1024>}, {pipeline_mode = #tpu.pipeline_mode<synchronous>, transform_indices = @transform_18, window_bounds = array<i64: 256, 1024>}, {pipeline_mode = #tpu.pipeline_mode<synchronous>, transform_indices = @transform_19, window_bounds = array<i64: 1, 1024>}, {pipeline_mode = #tpu.pipeline_mode<synchronous>, transform_indices = @transform_20, window_bounds = array<i64: 1024, 512>}, {pipeline_mode = #tpu.pipeline_mode<synchronous>, transform_indices = @transform_21, window_bounds = array<i64: 1, 512>}, {transform_indices = @transform_22, window_bounds = array<i64: 1024, 512>}]} {
    %mul3A = arith.constant 1024 : i32
    %mul3A_0 = arith.muli %arg0, %mul3A : i32
    %add3A = arith.constant 1024 : i32
    %add3A_1 = arith.addi %mul3A_0, %add3A : i32
    %get3A = arith.constant 0 : index
    %get3A_2 = memref.load %arg1[%get3A] : memref<3xi32, #tpu.memory_space<smem>>
    %get3A_3 = arith.constant 1 : index
    %get3A_4 = memref.load %arg1[%get3A_3] : memref<3xi32, #tpu.memory_space<smem>>
    %get3A_5 = arith.constant 2 : index
    %get3A_6 = memref.load %arg1[%get3A_5] : memref<3xi32, #tpu.memory_space<smem>>
    %iota3A = tpu.iota {dimensions = array<i32: 0>} : vector<1024x1xi32>
    %add3A_7 = vector.broadcast %mul3A_0 : i32 to vector<1024x1xi32>
    %add3A_8 = arith.addi %add3A_7, %iota3A : vector<1024x1xi32>
    %get3A_9 = arith.constant 0 : index
    %get3A_10 = arith.constant 0 : index
    %get3A_11 = vector.load %arg6[%get3A_9, %get3A_10] : memref<1x512xf32, #tpu.memory_space<vmem>>, vector<1x512xf32>
    %broadcast_in_dim3A = vector.shape_cast %get3A_11 : vector<1x512xf32> to vector<1x512xf32>
    %broadcast_in_dim3A_12 = vector.broadcast %broadcast_in_dim3A : vector<1x512xf32> to vector<1024x512xf32>
    %swap3A = arith.constant 0 : index
    %swap3A_13 = arith.constant 0 : index
    %swap3A_14 = vector.load %arg24[%swap3A, %swap3A_13] : memref<1024x512xf32, #tpu.memory_space<vmem>>, vector<1024x512xf32>
    tpu.vector_store %arg24[%swap3A, %swap3A_13], %broadcast_in_dim3A_12 {strides = array<i32>} : memref<1024x512xf32, #tpu.memory_space<vmem>>, vector<1024x512xf32>,
    %lt3A = arith.cmpi slt, %mul3A_0, %get3A_4 : i32
    %gt3A = arith.cmpi sgt, %add3A_1, %get3A_2 : i32
    %and3A = arith.andi %lt3A, %gt3A : i1
    %convert_element_type3A = arith.extui %and3A : i1 to i32
    %cond3A = arith.constant 0 : i32
    %cond3A_15 = arith.cmpi ne, %convert_element_type3A, %cond3A : i32
    scf.if %cond3A_15 {
      %get3A_26 = arith.constant 0 : index
      %get3A_27 = arith.constant 0 : index
      %get3A_28 = vector.load %arg2[%get3A_26, %get3A_27] : memref<1024x256xf32, #tpu.memory_space<vmem>>, vector<1024x256xf32>
      %get3A_29 = arith.constant 0 : index
      %get3A_30 = arith.constant 0 : index
      %get3A_31 = vector.load %arg3[%get3A_29, %get3A_30] : memref<1024x256xf32, #tpu.memory_space<vmem>>, vector<1024x256xf32>
      %get3A_32 = arith.constant 0 : index
      %get3A_33 = arith.constant 0 : index
      %get3A_34 = vector.load %arg4[%get3A_32, %get3A_33] : memref<1024x256xf32, #tpu.memory_space<vmem>>, vector<1024x256xf32>
      %get3A_35 = arith.constant 0 : index
      %get3A_36 = arith.constant 0 : index
      %get3A_37 = vector.load %arg5[%get3A_35, %get3A_36] : memref<1024x256xf32, #tpu.memory_space<vmem>>, vector<1024x256xf32>
      %convert_element_type3A_38 = arith.truncf %get3A_28 : vector<1024x256xf32> to vector<1024x256xbf16>
      %get3A_39 = arith.constant 0 : index
      %get3A_40 = arith.constant 0 : index
      %get3A_41 = vector.load %arg7[%get3A_39, %get3A_40] : memref<256x1024xbf16, #tpu.memory_space<vmem>>, vector<256x1024xbf16>
      %dot_general3A = arith.constant dense<0.000000e+00> : vector<1024x1024xf32>
      %dot_general3A_42 = tpu.matmul %convert_element_type3A_38, %get3A_41, %dot_general3A {dimension_numbers = #tpu.dot_dimension_numbers<[1], [0], [0], [1], [0, 0, 1, 1], [], []>, transpose_lhs_hint = false} : vector<1024x256xbf16>, vector<256x1024xbf16>, vector<1024x1024xf32> -> vector<1024x1024xf32>
      %convert_element_type3A_43 = arith.truncf %get3A_31 : vector<1024x256xf32> to vector<1024x256xbf16>
      %get3A_44 = arith.constant 0 : index
      %get3A_45 = arith.constant 0 : index
      %get3A_46 = vector.load %arg8[%get3A_44, %get3A_45] : memref<256x1024xbf16, #tpu.memory_space<vmem>>, vector<256x1024xbf16>
      %dot_general3A_47 = arith.constant dense<0.000000e+00> : vector<1024x1024xf32>
      %dot_general3A_48 = tpu.matmul %convert_element_type3A_43, %get3A_46, %dot_general3A_47 {dimension_numbers = #tpu.dot_dimension_numbers<[1], [0], [0], [1], [0, 0, 1, 1], [], []>, transpose_lhs_hint = false} : vector<1024x256xbf16>, vector<256x1024xbf16>, vector<1024x1024xf32> -> vector<1024x1024xf32>
      %add3A_49 = arith.addf %dot_general3A_42, %dot_general3A_48 : vector<1024x1024xf32>
      %convert_element_type3A_50 = arith.truncf %get3A_34 : vector<1024x256xf32> to vector<1024x256xbf16>
      %get3A_51 = arith.constant 0 : index
      %get3A_52 = arith.constant 0 : index
      %get3A_53 = vector.load %arg9[%get3A_51, %get3A_52] : memref<256x1024xbf16, #tpu.memory_space<vmem>>, vector<256x1024xbf16>
      %dot_general3A_54 = arith.constant dense<0.000000e+00> : vector<1024x1024xf32>
      %dot_general3A_55 = tpu.matmul %convert_element_type3A_50, %get3A_53, %dot_general3A_54 {dimension_numbers = #tpu.dot_dimension_numbers<[1], [0], [0], [1], [0, 0, 1, 1], [], []>, transpose_lhs_hint = false} : vector<1024x256xbf16>, vector<256x1024xbf16>, vector<1024x1024xf32> -> vector<1024x1024xf32>
      %add3A_56 = arith.addf %add3A_49, %dot_general3A_55 : vector<1024x1024xf32>
      %convert_element_type3A_57 = arith.truncf %get3A_37 : vector<1024x256xf32> to vector<1024x256xbf16>
      %get3A_58 = arith.constant 0 : index
      %get3A_59 = arith.constant 0 : index
      %get3A_60 = vector.load %arg10[%get3A_58, %get3A_59] : memref<256x1024xbf16, #tpu.memory_space<vmem>>, vector<256x1024xbf16>
      %dot_general3A_61 = arith.constant dense<0.000000e+00> : vector<1024x1024xf32>
      %dot_general3A_62 = tpu.matmul %convert_element_type3A_57, %get3A_60, %dot_general3A_61 {dimension_numbers = #tpu.dot_dimension_numbers<[1], [0], [0], [1], [0, 0, 1, 1], [], []>, transpose_lhs_hint = false} : vector<1024x256xbf16>, vector<256x1024xbf16>, vector<1024x1024xf32> -> vector<1024x1024xf32>
      %add3A_63 = arith.addf %add3A_56, %dot_general3A_62 : vector<1024x1024xf32>
      %get3A_64 = arith.constant 0 : index
      %get3A_65 = arith.constant 0 : index
      %get3A_66 = vector.load %arg11[%get3A_64, %get3A_65] : memref<1x1024xf32, #tpu.memory_space<vmem>>, vector<1x1024xf32>
      %add3A_67 = vector.broadcast %get3A_66 : vector<1x1024xf32> to vector<1024x1024xf32>
      %add3A_68 = arith.addf %add3A_63, %add3A_67 : vector<1024x1024xf32>
      %ge3A = arith.constant 0.000000e+00 : f32
      %ge3A_69 = vector.broadcast %ge3A : f32 to vector<1024x1024xf32>
      %ge3A_70 = arith.cmpf oge, %add3A_68, %ge3A_69 : vector<1024x1024xf32>
      %mul3A_71 = arith.constant 0.00999999977 : f32
      %mul3A_72 = vector.broadcast %mul3A_71 : f32 to vector<1024x1024xf32>
      %mul3A_73 = arith.mulf %mul3A_72, %add3A_68 : vector<1024x1024xf32>
      %select_n3A = arith.select %ge3A_70, %add3A_68, %mul3A_73 : vector<1024x1024xi1>, vector<1024x1024xf32>
      %convert_element_type3A_74 = arith.truncf %select_n3A : vector<1024x1024xf32> to vector<1024x1024xbf16>
      %get3A_75 = arith.constant 0 : index
      %get3A_76 = arith.constant 0 : index
      %get3A_77 = vector.load %arg12[%get3A_75, %get3A_76] : memref<1024x512xbf16, #tpu.memory_space<vmem>>, vector<1024x512xbf16>
      %dot_general3A_78 = arith.constant dense<0.000000e+00> : vector<1024x512xf32>
      %dot_general3A_79 = tpu.matmul %convert_element_type3A_74, %get3A_77, %dot_general3A_78 {dimension_numbers = #tpu.dot_dimension_numbers<[1], [0], [0], [1], [0, 0, 1, 1], [], []>, transpose_lhs_hint = false} : vector<1024x1024xbf16>, vector<1024x512xbf16>, vector<1024x512xf32> -> vector<1024x512xf32>
      %get3A_80 = arith.constant 0 : index
      %get3A_81 = arith.constant 0 : index
      %get3A_82 = vector.load %arg13[%get3A_80, %get3A_81] : memref<1x512xf32, #tpu.memory_space<vmem>>, vector<1x512xf32>
      %add3A_83 = vector.broadcast %get3A_82 : vector<1x512xf32> to vector<1024x512xf32>
      %add3A_84 = arith.addf %dot_general3A_79, %add3A_83 : vector<1024x512xf32>
      %ge3A_85 = vector.broadcast %get3A_2 : i32 to vector<1024x1xi32>
      %ge3A_86 = arith.cmpi sge, %add3A_8, %ge3A_85 : vector<1024x1xi32>
      %lt3A_87 = vector.broadcast %get3A_4 : i32 to vector<1024x1xi32>
      %lt3A_88 = arith.cmpi slt, %add3A_8, %lt3A_87 : vector<1024x1xi32>
      %and3A_89 = arith.andi %ge3A_86, %lt3A_88 : vector<1024x1xi1>
      %get3A_90 = arith.constant 0 : index
      %get3A_91 = arith.constant 0 : index
      %get3A_92 = vector.load %arg24[%get3A_90, %get3A_91] : memref<1024x512xf32, #tpu.memory_space<vmem>>, vector<1024x512xf32>
      %broadcast_in_dim3A_93 = vector.shape_cast %and3A_89 : vector<1024x1xi1> to vector<1024x1xi1>
      %broadcast_in_dim3A_94 = vector.broadcast %broadcast_in_dim3A_93 : vector<1024x1xi1> to vector<1024x512xi1>
      %select_n3A_95 = arith.select %broadcast_in_dim3A_94, %add3A_84, %get3A_92 : vector<1024x512xi1>, vector<1024x512xf32>
      %swap3A_96 = arith.constant 0 : index
      %swap3A_97 = arith.constant 0 : index
      %swap3A_98 = vector.load %arg24[%swap3A_96, %swap3A_97] : memref<1024x512xf32, #tpu.memory_space<vmem>>, vector<1024x512xf32>
      tpu.vector_store %arg24[%swap3A_96, %swap3A_97], %select_n3A_95 {strides = array<i32>} : memref<1024x512xf32, #tpu.memory_space<vmem>>, vector<1024x512xf32>,
    } else {
    }
    %lt3A_16 = arith.cmpi slt, %mul3A_0, %get3A_6 : i32
    %gt3A_17 = arith.cmpi sgt, %add3A_1, %get3A_4 : i32
    %and3A_18 = arith.andi %lt3A_16, %gt3A_17 : i1
    %convert_element_type3A_19 = arith.extui %and3A_18 : i1 to i32
    %cond3A_20 = arith.constant 0 : i32
    %cond3A_21 = arith.cmpi ne, %convert_element_type3A_19, %cond3A_20 : i32
    scf.if %cond3A_21 {
      %get3A_26 = arith.constant 0 : index
      %get3A_27 = arith.constant 0 : index
      %get3A_28 = vector.load %arg2[%get3A_26, %get3A_27] : memref<1024x256xf32, #tpu.memory_space<vmem>>, vector<1024x256xf32>
      %get3A_29 = arith.constant 0 : index
      %get3A_30 = arith.constant 0 : index
      %get3A_31 = vector.load %arg5[%get3A_29, %get3A_30] : memref<1024x256xf32, #tpu.memory_space<vmem>>, vector<1024x256xf32>
      %convert_element_type3A_32 = arith.truncf %get3A_28 : vector<1024x256xf32> to vector<1024x256xbf16>
      %get3A_33 = arith.constant 0 : index
      %get3A_34 = arith.constant 0 : index
      %get3A_35 = vector.load %arg14[%get3A_33, %get3A_34] : memref<256x1024xbf16, #tpu.memory_space<vmem>>, vector<256x1024xbf16>
      %dot_general3A = arith.constant dense<0.000000e+00> : vector<1024x1024xf32>
      %dot_general3A_36 = tpu.matmul %convert_element_type3A_32, %get3A_35, %dot_general3A {dimension_numbers = #tpu.dot_dimension_numbers<[1], [0], [0], [1], [0, 0, 1, 1], [], []>, transpose_lhs_hint = false} : vector<1024x256xbf16>, vector<256x1024xbf16>, vector<1024x1024xf32> -> vector<1024x1024xf32>
      %convert_element_type3A_37 = arith.truncf %get3A_31 : vector<1024x256xf32> to vector<1024x256xbf16>
      %get3A_38 = arith.constant 0 : index
      %get3A_39 = arith.constant 0 : index
      %get3A_40 = vector.load %arg15[%get3A_38, %get3A_39] : memref<256x1024xbf16, #tpu.memory_space<vmem>>, vector<256x1024xbf16>
      %dot_general3A_41 = arith.constant dense<0.000000e+00> : vector<1024x1024xf32>
      %dot_general3A_42 = tpu.matmul %convert_element_type3A_37, %get3A_40, %dot_general3A_41 {dimension_numbers = #tpu.dot_dimension_numbers<[1], [0], [0], [1], [0, 0, 1, 1], [], []>, transpose_lhs_hint = false} : vector<1024x256xbf16>, vector<256x1024xbf16>, vector<1024x1024xf32> -> vector<1024x1024xf32>
      %add3A_43 = arith.addf %dot_general3A_36, %dot_general3A_42 : vector<1024x1024xf32>
      %get3A_44 = arith.constant 0 : index
      %get3A_45 = arith.constant 0 : index
      %get3A_46 = vector.load %arg16[%get3A_44, %get3A_45] : memref<1x1024xf32, #tpu.memory_space<vmem>>, vector<1x1024xf32>
      %add3A_47 = vector.broadcast %get3A_46 : vector<1x1024xf32> to vector<1024x1024xf32>
      %add3A_48 = arith.addf %add3A_43, %add3A_47 : vector<1024x1024xf32>
      %ge3A = arith.constant 0.000000e+00 : f32
      %ge3A_49 = vector.broadcast %ge3A : f32 to vector<1024x1024xf32>
      %ge3A_50 = arith.cmpf oge, %add3A_48, %ge3A_49 : vector<1024x1024xf32>
      %mul3A_51 = arith.constant 0.00999999977 : f32
      %mul3A_52 = vector.broadcast %mul3A_51 : f32 to vector<1024x1024xf32>
      %mul3A_53 = arith.mulf %mul3A_52, %add3A_48 : vector<1024x1024xf32>
      %select_n3A = arith.select %ge3A_50, %add3A_48, %mul3A_53 : vector<1024x1024xi1>, vector<1024x1024xf32>
      %convert_element_type3A_54 = arith.truncf %select_n3A : vector<1024x1024xf32> to vector<1024x1024xbf16>
      %get3A_55 = arith.constant 0 : index
      %get3A_56 = arith.constant 0 : index
      %get3A_57 = vector.load %arg17[%get3A_55, %get3A_56] : memref<1024x512xbf16, #tpu.memory_space<vmem>>, vector<1024x512xbf16>
      %dot_general3A_58 = arith.constant dense<0.000000e+00> : vector<1024x512xf32>
      %dot_general3A_59 = tpu.matmul %convert_element_type3A_54, %get3A_57, %dot_general3A_58 {dimension_numbers = #tpu.dot_dimension_numbers<[1], [0], [0], [1], [0, 0, 1, 1], [], []>, transpose_lhs_hint = false} : vector<1024x1024xbf16>, vector<1024x512xbf16>, vector<1024x512xf32> -> vector<1024x512xf32>
      %get3A_60 = arith.constant 0 : index
      %get3A_61 = arith.constant 0 : index
      %get3A_62 = vector.load %arg18[%get3A_60, %get3A_61] : memref<1x512xf32, #tpu.memory_space<vmem>>, vector<1x512xf32>
      %add3A_63 = vector.broadcast %get3A_62 : vector<1x512xf32> to vector<1024x512xf32>
      %add3A_64 = arith.addf %dot_general3A_59, %add3A_63 : vector<1024x512xf32>
      %ge3A_65 = vector.broadcast %get3A_4 : i32 to vector<1024x1xi32>
      %ge3A_66 = arith.cmpi sge, %add3A_8, %ge3A_65 : vector<1024x1xi32>
      %lt3A_67 = vector.broadcast %get3A_6 : i32 to vector<1024x1xi32>
      %lt3A_68 = arith.cmpi slt, %add3A_8, %lt3A_67 : vector<1024x1xi32>
      %and3A_69 = arith.andi %ge3A_66, %lt3A_68 : vector<1024x1xi1>
      %get3A_70 = arith.constant 0 : index
      %get3A_71 = arith.constant 0 : index
      %get3A_72 = vector.load %arg24[%get3A_70, %get3A_71] : memref<1024x512xf32, #tpu.memory_space<vmem>>, vector<1024x512xf32>
      %broadcast_in_dim3A_73 = vector.shape_cast %and3A_69 : vector<1024x1xi1> to vector<1024x1xi1>
      %broadcast_in_dim3A_74 = vector.broadcast %broadcast_in_dim3A_73 : vector<1024x1xi1> to vector<1024x512xi1>
      %select_n3A_75 = arith.select %broadcast_in_dim3A_74, %add3A_64, %get3A_72 : vector<1024x512xi1>, vector<1024x512xf32>
      %swap3A_76 = arith.constant 0 : index
      %swap3A_77 = arith.constant 0 : index
      %swap3A_78 = vector.load %arg24[%swap3A_76, %swap3A_77] : memref<1024x512xf32, #tpu.memory_space<vmem>>, vector<1024x512xf32>
      tpu.vector_store %arg24[%swap3A_76, %swap3A_77], %select_n3A_75 {strides = array<i32>} : memref<1024x512xf32, #tpu.memory_space<vmem>>, vector<1024x512xf32>,
    } else {
    }
    %gt3A_22 = arith.cmpi sgt, %add3A_1, %get3A_6 : i32
    %convert_element_type3A_23 = arith.extui %gt3A_22 : i1 to i32
    %cond3A_24 = arith.constant 0 : i32
    %cond3A_25 = arith.cmpi ne, %convert_element_type3A_23, %cond3A_24 : i32
    scf.if %cond3A_25 {
      %get3A_26 = arith.constant 0 : index
      %get3A_27 = arith.constant 0 : index
      %get3A_28 = vector.load %arg2[%get3A_26, %get3A_27] : memref<1024x256xf32, #tpu.memory_space<vmem>>, vector<1024x256xf32>
      %get3A_29 = arith.constant 0 : index
      %get3A_30 = arith.constant 0 : index
      %get3A_31 = vector.load %arg5[%get3A_29, %get3A_30] : memref<1024x256xf32, #tpu.memory_space<vmem>>, vector<1024x256xf32>
      %convert_element_type3A_32 = arith.truncf %get3A_28 : vector<1024x256xf32> to vector<1024x256xbf16>
      %get3A_33 = arith.constant 0 : index
      %get3A_34 = arith.constant 0 : index
      %get3A_35 = vector.load %arg19[%get3A_33, %get3A_34] : memref<256x1024xbf16, #tpu.memory_space<vmem>>, vector<256x1024xbf16>
      %dot_general3A = arith.constant dense<0.000000e+00> : vector<1024x1024xf32>
      %dot_general3A_36 = tpu.matmul %convert_element_type3A_32, %get3A_35, %dot_general3A {dimension_numbers = #tpu.dot_dimension_numbers<[1], [0], [0], [1], [0, 0, 1, 1], [], []>, transpose_lhs_hint = false} : vector<1024x256xbf16>, vector<256x1024xbf16>, vector<1024x1024xf32> -> vector<1024x1024xf32>
      %convert_element_type3A_37 = arith.truncf %get3A_31 : vector<1024x256xf32> to vector<1024x256xbf16>
      %get3A_38 = arith.constant 0 : index
      %get3A_39 = arith.constant 0 : index
      %get3A_40 = vector.load %arg20[%get3A_38, %get3A_39] : memref<256x1024xbf16, #tpu.memory_space<vmem>>, vector<256x1024xbf16>
      %dot_general3A_41 = arith.constant dense<0.000000e+00> : vector<1024x1024xf32>
      %dot_general3A_42 = tpu.matmul %convert_element_type3A_37, %get3A_40, %dot_general3A_41 {dimension_numbers = #tpu.dot_dimension_numbers<[1], [0], [0], [1], [0, 0, 1, 1], [], []>, transpose_lhs_hint = false} : vector<1024x256xbf16>, vector<256x1024xbf16>, vector<1024x1024xf32> -> vector<1024x1024xf32>
      %add3A_43 = arith.addf %dot_general3A_36, %dot_general3A_42 : vector<1024x1024xf32>
      %get3A_44 = arith.constant 0 : index
      %get3A_45 = arith.constant 0 : index
      %get3A_46 = vector.load %arg21[%get3A_44, %get3A_45] : memref<1x1024xf32, #tpu.memory_space<vmem>>, vector<1x1024xf32>
      %add3A_47 = vector.broadcast %get3A_46 : vector<1x1024xf32> to vector<1024x1024xf32>
      %add3A_48 = arith.addf %add3A_43, %add3A_47 : vector<1024x1024xf32>
      %ge3A = arith.constant 0.000000e+00 : f32
      %ge3A_49 = vector.broadcast %ge3A : f32 to vector<1024x1024xf32>
      %ge3A_50 = arith.cmpf oge, %add3A_48, %ge3A_49 : vector<1024x1024xf32>
      %mul3A_51 = arith.constant 0.00999999977 : f32
      %mul3A_52 = vector.broadcast %mul3A_51 : f32 to vector<1024x1024xf32>
      %mul3A_53 = arith.mulf %mul3A_52, %add3A_48 : vector<1024x1024xf32>
      %select_n3A = arith.select %ge3A_50, %add3A_48, %mul3A_53 : vector<1024x1024xi1>, vector<1024x1024xf32>
      %convert_element_type3A_54 = arith.truncf %select_n3A : vector<1024x1024xf32> to vector<1024x1024xbf16>
      %get3A_55 = arith.constant 0 : index
      %get3A_56 = arith.constant 0 : index
      %get3A_57 = vector.load %arg22[%get3A_55, %get3A_56] : memref<1024x512xbf16, #tpu.memory_space<vmem>>, vector<1024x512xbf16>
      %dot_general3A_58 = arith.constant dense<0.000000e+00> : vector<1024x512xf32>
      %dot_general3A_59 = tpu.matmul %convert_element_type3A_54, %get3A_57, %dot_general3A_58 {dimension_numbers = #tpu.dot_dimension_numbers<[1], [0], [0], [1], [0, 0, 1, 1], [], []>, transpose_lhs_hint = false} : vector<1024x1024xbf16>, vector<1024x512xbf16>, vector<1024x512xf32> -> vector<1024x512xf32>
      %get3A_60 = arith.constant 0 : index
      %get3A_61 = arith.constant 0 : index
      %get3A_62 = vector.load %arg23[%get3A_60, %get3A_61] : memref<1x512xf32, #tpu.memory_space<vmem>>, vector<1x512xf32>
      %add3A_63 = vector.broadcast %get3A_62 : vector<1x512xf32> to vector<1024x512xf32>
      %add3A_64 = arith.addf %dot_general3A_59, %add3A_63 : vector<1024x512xf32>
      %ge3A_65 = vector.broadcast %get3A_6 : i32 to vector<1024x1xi32>
      %ge3A_66 = arith.cmpi sge, %add3A_8, %ge3A_65 : vector<1024x1xi32>
      %get3A_67 = arith.constant 0 : index
      %get3A_68 = arith.constant 0 : index
      %get3A_69 = vector.load %arg24[%get3A_67, %get3A_68] : memref<1024x512xf32, #tpu.memory_space<vmem>>, vector<1024x512xf32>
      %broadcast_in_dim3A_70 = vector.shape_cast %ge3A_66 : vector<1024x1xi1> to vector<1024x1xi1>
      %broadcast_in_dim3A_71 = vector.broadcast %broadcast_in_dim3A_70 : vector<1024x1xi1> to vector<1024x512xi1>
      %select_n3A_72 = arith.select %broadcast_in_dim3A_71, %add3A_64, %get3A_69 : vector<1024x512xi1>, vector<1024x512xf32>
      %swap3A_73 = arith.constant 0 : index
      %swap3A_74 = arith.constant 0 : index
      %swap3A_75 = vector.load %arg24[%swap3A_73, %swap3A_74] : memref<1024x512xf32, #tpu.memory_space<vmem>>, vector<1024x512xf32>
      tpu.vector_store %arg24[%swap3A_73, %swap3A_74], %select_n3A_72 {strides = array<i32>} : memref<1024x512xf32, #tpu.memory_space<vmem>>, vector<1024x512xf32>,
    } else {
    }
    return
  }
  func.func @transform_0(%arg0: i32, %arg1: memref<3xi32, #tpu.memory_space<smem>>) -> (i32, i32) {
    %get3A = arith.constant 0 : index
    %get3A_0 = memref.load %arg1[%get3A] : memref<3xi32, #tpu.memory_space<smem>>
    %jit3A = arith.constant 1024 : i32
    %div3A = arith.divsi %get3A_0, %jit3A : i32
    %sign3A = arith.constant 0 : i32
    %sign3A_1 = arith.cmpi sgt, %get3A_0, %sign3A : i32
    %sign3A_2 = arith.extui %sign3A_1 : i1 to i32
    %sign3A_3 = arith.constant 0 : i32
    %sign3A_4 = arith.cmpi slt, %get3A_0, %sign3A_3 : i32
    %sign3A_5 = arith.extui %sign3A_4 : i1 to i32
    %sign3A_6 = arith.subi %sign3A_2, %sign3A_5 : i32
    %sign3A_7 = arith.constant 0 : i32
    %sign3A_8 = arith.cmpi sgt, %jit3A, %sign3A_7 : i32
    %sign3A_9 = arith.extui %sign3A_8 : i1 to i32
    %sign3A_10 = arith.constant 0 : i32
    %sign3A_11 = arith.cmpi slt, %jit3A, %sign3A_10 : i32
    %sign3A_12 = arith.extui %sign3A_11 : i1 to i32
    %sign3A_13 = arith.subi %sign3A_9, %sign3A_12 : i32
    %ne3A = arith.cmpi ne, %sign3A_6, %sign3A_13 : i32
    %rem3A = arith.remsi %get3A_0, %jit3A : i32
    %ne3A_14 = arith.constant 0 : i32
    %ne3A_15 = arith.cmpi ne, %rem3A, %ne3A_14 : i32
    %and3A = arith.andi %ne3A, %ne3A_15 : i1
    %sub3A = arith.constant 1 : i32
    %sub3A_16 = arith.subi %div3A, %sub3A : i32
    %select_n3A = arith.select %and3A, %sub3A_16, %div3A : i32
    %min3A = arith.constant 15 : i32
    %min3A_17 = arith.minsi %select_n3A, %min3A : i32
    %max3A = arith.maxsi %arg0, %min3A_17 : i32
    %c0_i32 = arith.constant 0 : i32
    %c0_i32_18 = arith.constant 0 : i32
    return %max3A, %c0_i32 : i32, i32
  }
  func.func @transform_1(%arg0: i32, %arg1: memref<3xi32, #tpu.memory_space<smem>>) -> (i32, i32) {
    %get3A = arith.constant 0 : index
    %get3A_0 = memref.load %arg1[%get3A] : memref<3xi32, #tpu.memory_space<smem>>
    %jit3A = arith.constant 1024 : i32
    %div3A = arith.divsi %get3A_0, %jit3A : i32
    %sign3A = arith.constant 0 : i32
    %sign3A_1 = arith.cmpi sgt, %get3A_0, %sign3A : i32
    %sign3A_2 = arith.extui %sign3A_1 : i1 to i32
    %sign3A_3 = arith.constant 0 : i32
    %sign3A_4 = arith.cmpi slt, %get3A_0, %sign3A_3 : i32
    %sign3A_5 = arith.extui %sign3A_4 : i1 to i32
    %sign3A_6 = arith.subi %sign3A_2, %sign3A_5 : i32
    %sign3A_7 = arith.constant 0 : i32
    %sign3A_8 = arith.cmpi sgt, %jit3A, %sign3A_7 : i32
    %sign3A_9 = arith.extui %sign3A_8 : i1 to i32
    %sign3A_10 = arith.constant 0 : i32
    %sign3A_11 = arith.cmpi slt, %jit3A, %sign3A_10 : i32
    %sign3A_12 = arith.extui %sign3A_11 : i1 to i32
    %sign3A_13 = arith.subi %sign3A_9, %sign3A_12 : i32
    %ne3A = arith.cmpi ne, %sign3A_6, %sign3A_13 : i32
    %rem3A = arith.remsi %get3A_0, %jit3A : i32
    %ne3A_14 = arith.constant 0 : i32
    %ne3A_15 = arith.cmpi ne, %rem3A, %ne3A_14 : i32
    %and3A = arith.andi %ne3A, %ne3A_15 : i1
    %sub3A = arith.constant 1 : i32
    %sub3A_16 = arith.subi %div3A, %sub3A : i32
    %select_n3A = arith.select %and3A, %sub3A_16, %div3A : i32
    %min3A = arith.constant 15 : i32
    %min3A_17 = arith.minsi %select_n3A, %min3A : i32
    %get3A_18 = arith.constant 1 : index
    %get3A_19 = memref.load %arg1[%get3A_18] : memref<3xi32, #tpu.memory_space<smem>>
    %sub3A_20 = arith.constant 1 : i32
    %sub3A_21 = arith.subi %get3A_19, %sub3A_20 : i32
    %jit3A_22 = arith.constant 1024 : i32
    %div3A_23 = arith.divsi %sub3A_21, %jit3A_22 : i32
    %sign3A_24 = arith.constant 0 : i32
    %sign3A_25 = arith.cmpi sgt, %sub3A_21, %sign3A_24 : i32
    %sign3A_26 = arith.extui %sign3A_25 : i1 to i32
    %sign3A_27 = arith.constant 0 : i32
    %sign3A_28 = arith.cmpi slt, %sub3A_21, %sign3A_27 : i32
    %sign3A_29 = arith.extui %sign3A_28 : i1 to i32
    %sign3A_30 = arith.subi %sign3A_26, %sign3A_29 : i32
    %sign3A_31 = arith.constant 0 : i32
    %sign3A_32 = arith.cmpi sgt, %jit3A_22, %sign3A_31 : i32
    %sign3A_33 = arith.extui %sign3A_32 : i1 to i32
    %sign3A_34 = arith.constant 0 : i32
    %sign3A_35 = arith.cmpi slt, %jit3A_22, %sign3A_34 : i32
    %sign3A_36 = arith.extui %sign3A_35 : i1 to i32
    %sign3A_37 = arith.subi %sign3A_33, %sign3A_36 : i32
    %ne3A_38 = arith.cmpi ne, %sign3A_30, %sign3A_37 : i32
    %rem3A_39 = arith.remsi %sub3A_21, %jit3A_22 : i32
    %ne3A_40 = arith.constant 0 : i32
    %ne3A_41 = arith.cmpi ne, %rem3A_39, %ne3A_40 : i32
    %and3A_42 = arith.andi %ne3A_38, %ne3A_41 : i1
    %sub3A_43 = arith.constant 1 : i32
    %sub3A_44 = arith.subi %div3A_23, %sub3A_43 : i32
    %select_n3A_45 = arith.select %and3A_42, %sub3A_44, %div3A_23 : i32
    %jit3A_46 = arith.constant 15 : i32
    %max3A = arith.maxsi %min3A_17, %select_n3A_45 : i32
    %min3A_47 = arith.minsi %jit3A_46, %max3A : i32
    %max3A_48 = arith.maxsi %min3A_17, %arg0 : i32
    %min3A_49 = arith.minsi %min3A_47, %max3A_48 : i32
    %c0_i32 = arith.constant 0 : i32
    %c0_i32_50 = arith.constant 0 : i32
    return %min3A_49, %c0_i32 : i32, i32
  }
  func.func @transform_2(%arg0: i32, %arg1: memref<3xi32, #tpu.memory_space<smem>>) -> (i32, i32) {
    %get3A = arith.constant 0 : index
    %get3A_0 = memref.load %arg1[%get3A] : memref<3xi32, #tpu.memory_space<smem>>
    %jit3A = arith.constant 1024 : i32
    %div3A = arith.divsi %get3A_0, %jit3A : i32
    %sign3A = arith.constant 0 : i32
    %sign3A_1 = arith.cmpi sgt, %get3A_0, %sign3A : i32
    %sign3A_2 = arith.extui %sign3A_1 : i1 to i32
    %sign3A_3 = arith.constant 0 : i32
    %sign3A_4 = arith.cmpi slt, %get3A_0, %sign3A_3 : i32
    %sign3A_5 = arith.extui %sign3A_4 : i1 to i32
    %sign3A_6 = arith.subi %sign3A_2, %sign3A_5 : i32
    %sign3A_7 = arith.constant 0 : i32
    %sign3A_8 = arith.cmpi sgt, %jit3A, %sign3A_7 : i32
    %sign3A_9 = arith.extui %sign3A_8 : i1 to i32
    %sign3A_10 = arith.constant 0 : i32
    %sign3A_11 = arith.cmpi slt, %jit3A, %sign3A_10 : i32
    %sign3A_12 = arith.extui %sign3A_11 : i1 to i32
    %sign3A_13 = arith.subi %sign3A_9, %sign3A_12 : i32
    %ne3A = arith.cmpi ne, %sign3A_6, %sign3A_13 : i32
    %rem3A = arith.remsi %get3A_0, %jit3A : i32
    %ne3A_14 = arith.constant 0 : i32
    %ne3A_15 = arith.cmpi ne, %rem3A, %ne3A_14 : i32
    %and3A = arith.andi %ne3A, %ne3A_15 : i1
    %sub3A = arith.constant 1 : i32
    %sub3A_16 = arith.subi %div3A, %sub3A : i32
    %select_n3A = arith.select %and3A, %sub3A_16, %div3A : i32
    %min3A = arith.constant 15 : i32
    %min3A_17 = arith.minsi %select_n3A, %min3A : i32
    %get3A_18 = arith.constant 1 : index
    %get3A_19 = memref.load %arg1[%get3A_18] : memref<3xi32, #tpu.memory_space<smem>>
    %sub3A_20 = arith.constant 1 : i32
    %sub3A_21 = arith.subi %get3A_19, %sub3A_20 : i32
    %jit3A_22 = arith.constant 1024 : i32
    %div3A_23 = arith.divsi %sub3A_21, %jit3A_22 : i32
    %sign3A_24 = arith.constant 0 : i32
    %sign3A_25 = arith.cmpi sgt, %sub3A_21, %sign3A_24 : i32
    %sign3A_26 = arith.extui %sign3A_25 : i1 to i32
    %sign3A_27 = arith.constant 0 : i32
    %sign3A_28 = arith.cmpi slt, %sub3A_21, %sign3A_27 : i32
    %sign3A_29 = arith.extui %sign3A_28 : i1 to i32
    %sign3A_30 = arith.subi %sign3A_26, %sign3A_29 : i32
    %sign3A_31 = arith.constant 0 : i32
    %sign3A_32 = arith.cmpi sgt, %jit3A_22, %sign3A_31 : i32
    %sign3A_33 = arith.extui %sign3A_32 : i1 to i32
    %sign3A_34 = arith.constant 0 : i32
    %sign3A_35 = arith.cmpi slt, %jit3A_22, %sign3A_34 : i32
    %sign3A_36 = arith.extui %sign3A_35 : i1 to i32
    %sign3A_37 = arith.subi %sign3A_33, %sign3A_36 : i32
    %ne3A_38 = arith.cmpi ne, %sign3A_30, %sign3A_37 : i32
    %rem3A_39 = arith.remsi %sub3A_21, %jit3A_22 : i32
    %ne3A_40 = arith.constant 0 : i32
    %ne3A_41 = arith.cmpi ne, %rem3A_39, %ne3A_40 : i32
    %and3A_42 = arith.andi %ne3A_38, %ne3A_41 : i1
    %sub3A_43 = arith.constant 1 : i32
    %sub3A_44 = arith.subi %div3A_23, %sub3A_43 : i32
    %select_n3A_45 = arith.select %and3A_42, %sub3A_44, %div3A_23 : i32
    %jit3A_46 = arith.constant 15 : i32
    %max3A = arith.maxsi %min3A_17, %select_n3A_45 : i32
    %min3A_47 = arith.minsi %jit3A_46, %max3A : i32
    %max3A_48 = arith.maxsi %min3A_17, %arg0 : i32
    %min3A_49 = arith.minsi %min3A_47, %max3A_48 : i32
    %c0_i32 = arith.constant 0 : i32
    %c0_i32_50 = arith.constant 0 : i32
    return %min3A_49, %c0_i32 : i32, i32
  }
  func.func @transform_3(%arg0: i32, %arg1: memref<3xi32, #tpu.memory_space<smem>>) -> (i32, i32) {
    %get3A = arith.constant 0 : index
    %get3A_0 = memref.load %arg1[%get3A] : memref<3xi32, #tpu.memory_space<smem>>
    %jit3A = arith.constant 1024 : i32
    %div3A = arith.divsi %get3A_0, %jit3A : i32
    %sign3A = arith.constant 0 : i32
    %sign3A_1 = arith.cmpi sgt, %get3A_0, %sign3A : i32
    %sign3A_2 = arith.extui %sign3A_1 : i1 to i32
    %sign3A_3 = arith.constant 0 : i32
    %sign3A_4 = arith.cmpi slt, %get3A_0, %sign3A_3 : i32
    %sign3A_5 = arith.extui %sign3A_4 : i1 to i32
    %sign3A_6 = arith.subi %sign3A_2, %sign3A_5 : i32
    %sign3A_7 = arith.constant 0 : i32
    %sign3A_8 = arith.cmpi sgt, %jit3A, %sign3A_7 : i32
    %sign3A_9 = arith.extui %sign3A_8 : i1 to i32
    %sign3A_10 = arith.constant 0 : i32
    %sign3A_11 = arith.cmpi slt, %jit3A, %sign3A_10 : i32
    %sign3A_12 = arith.extui %sign3A_11 : i1 to i32
    %sign3A_13 = arith.subi %sign3A_9, %sign3A_12 : i32
    %ne3A = arith.cmpi ne, %sign3A_6, %sign3A_13 : i32
    %rem3A = arith.remsi %get3A_0, %jit3A : i32
    %ne3A_14 = arith.constant 0 : i32
    %ne3A_15 = arith.cmpi ne, %rem3A, %ne3A_14 : i32
    %and3A = arith.andi %ne3A, %ne3A_15 : i1
    %sub3A = arith.constant 1 : i32
    %sub3A_16 = arith.subi %div3A, %sub3A : i32
    %select_n3A = arith.select %and3A, %sub3A_16, %div3A : i32
    %min3A = arith.constant 15 : i32
    %min3A_17 = arith.minsi %select_n3A, %min3A : i32
    %max3A = arith.maxsi %arg0, %min3A_17 : i32
    %c0_i32 = arith.constant 0 : i32
    %c0_i32_18 = arith.constant 0 : i32
    return %max3A, %c0_i32 : i32, i32
  }
  func.func @transform_4(%arg0: i32, %arg1: memref<3xi32, #tpu.memory_space<smem>>) -> (i32, i32) {
    %c0_i32 = arith.constant 0 : i32
    %c0_i32_0 = arith.constant 0 : i32
    %c0_i32_1 = arith.constant 0 : i32
    return %c0_i32, %c0_i32_0 : i32, i32
  }
  func.func @transform_5(%arg0: i32, %arg1: memref<3xi32, #tpu.memory_space<smem>>) -> (i32, i32) {
    %c0_i32 = arith.constant 0 : i32
    %c0_i32_0 = arith.constant 0 : i32
    %c0_i32_1 = arith.constant 0 : i32
    return %c0_i32, %c0_i32_0 : i32, i32
  }
  func.func @transform_6(%arg0: i32, %arg1: memref<3xi32, #tpu.memory_space<smem>>) -> (i32, i32) {
    %c0_i32 = arith.constant 0 : i32
    %c0_i32_0 = arith.constant 0 : i32
    %c0_i32_1 = arith.constant 0 : i32
    return %c0_i32, %c0_i32_0 : i32, i32
  }
  func.func @transform_7(%arg0: i32, %arg1: memref<3xi32, #tpu.memory_space<smem>>) -> (i32, i32) {
    %c0_i32 = arith.constant 0 : i32
    %c0_i32_0 = arith.constant 0 : i32
    %c0_i32_1 = arith.constant 0 : i32
    return %c0_i32, %c0_i32_0 : i32, i32
  }
  func.func @transform_8(%arg0: i32, %arg1: memref<3xi32, #tpu.memory_space<smem>>) -> (i32, i32) {
    %c0_i32 = arith.constant 0 : i32
    %c0_i32_0 = arith.constant 0 : i32
    %c0_i32_1 = arith.constant 0 : i32
    return %c0_i32, %c0_i32_0 : i32, i32
  }
  func.func @transform_9(%arg0: i32, %arg1: memref<3xi32, #tpu.memory_space<smem>>) -> (i32, i32) {
    %c0_i32 = arith.constant 0 : i32
    %c0_i32_0 = arith.constant 0 : i32
    %c0_i32_1 = arith.constant 0 : i32
    return %c0_i32, %c0_i32_0 : i32, i32
  }
  func.func @transform_10(%arg0: i32, %arg1: memref<3xi32, #tpu.memory_space<smem>>) -> (i32, i32) {
    %c0_i32 = arith.constant 0 : i32
    %c0_i32_0 = arith.constant 0 : i32
    %c0_i32_1 = arith.constant 0 : i32
    return %c0_i32, %c0_i32_0 : i32, i32
  }
  func.func @transform_11(%arg0: i32, %arg1: memref<3xi32, #tpu.memory_space<smem>>) -> (i32, i32) {
    %c0_i32 = arith.constant 0 : i32
    %c0_i32_0 = arith.constant 0 : i32
    %c0_i32_1 = arith.constant 0 : i32
    return %c0_i32, %c0_i32_0 : i32, i32
  }
  func.func @transform_12(%arg0: i32, %arg1: memref<3xi32, #tpu.memory_space<smem>>) -> (i32, i32) {
    %c0_i32 = arith.constant 0 : i32
    %c0_i32_0 = arith.constant 0 : i32
    %c0_i32_1 = arith.constant 0 : i32
    return %c0_i32, %c0_i32_0 : i32, i32
  }
  func.func @transform_13(%arg0: i32, %arg1: memref<3xi32, #tpu.memory_space<smem>>) -> (i32, i32) {
    %c0_i32 = arith.constant 0 : i32
    %c0_i32_0 = arith.constant 0 : i32
    %c0_i32_1 = arith.constant 0 : i32
    return %c0_i32, %c0_i32_0 : i32, i32
  }
  func.func @transform_14(%arg0: i32, %arg1: memref<3xi32, #tpu.memory_space<smem>>) -> (i32, i32) {
    %c0_i32 = arith.constant 0 : i32
    %c0_i32_0 = arith.constant 0 : i32
    %c0_i32_1 = arith.constant 0 : i32
    return %c0_i32, %c0_i32_0 : i32, i32
  }
  func.func @transform_15(%arg0: i32, %arg1: memref<3xi32, #tpu.memory_space<smem>>) -> (i32, i32) {
    %c0_i32 = arith.constant 0 : i32
    %c0_i32_0 = arith.constant 0 : i32
    %c0_i32_1 = arith.constant 0 : i32
    return %c0_i32, %c0_i32_0 : i32, i32
  }
  func.func @transform_16(%arg0: i32, %arg1: memref<3xi32, #tpu.memory_space<smem>>) -> (i32, i32) {
    %c0_i32 = arith.constant 0 : i32
    %c0_i32_0 = arith.constant 0 : i32
    %c0_i32_1 = arith.constant 0 : i32
    return %c0_i32, %c0_i32_0 : i32, i32
  }
  func.func @transform_17(%arg0: i32, %arg1: memref<3xi32, #tpu.memory_space<smem>>) -> (i32, i32) {
    %c0_i32 = arith.constant 0 : i32
    %c0_i32_0 = arith.constant 0 : i32
    %c0_i32_1 = arith.constant 0 : i32
    return %c0_i32, %c0_i32_0 : i32, i32
  }
  func.func @transform_18(%arg0: i32, %arg1: memref<3xi32, #tpu.memory_space<smem>>) -> (i32, i32) {
    %c0_i32 = arith.constant 0 : i32
    %c0_i32_0 = arith.constant 0 : i32
    %c0_i32_1 = arith.constant 0 : i32
    return %c0_i32, %c0_i32_0 : i32, i32
  }
  func.func @transform_19(%arg0: i32, %arg1: memref<3xi32, #tpu.memory_space<smem>>) -> (i32, i32) {
    %c0_i32 = arith.constant 0 : i32
    %c0_i32_0 = arith.constant 0 : i32
    %c0_i32_1 = arith.constant 0 : i32
    return %c0_i32, %c0_i32_0 : i32, i32
  }
  func.func @transform_20(%arg0: i32, %arg1: memref<3xi32, #tpu.memory_space<smem>>) -> (i32, i32) {
    %c0_i32 = arith.constant 0 : i32
    %c0_i32_0 = arith.constant 0 : i32
    %c0_i32_1 = arith.constant 0 : i32
    return %c0_i32, %c0_i32_0 : i32, i32
  }
  func.func @transform_21(%arg0: i32, %arg1: memref<3xi32, #tpu.memory_space<smem>>) -> (i32, i32) {
    %c0_i32 = arith.constant 0 : i32
    %c0_i32_0 = arith.constant 0 : i32
    %c0_i32_1 = arith.constant 0 : i32
    return %c0_i32, %c0_i32_0 : i32, i32
  }
  func.func @transform_22(%arg0: i32, %arg1: memref<3xi32, #tpu.memory_space<smem>>) -> (i32, i32) {
    %c0_i32 = arith.constant 0 : i32
    %c0_i32_0 = arith.constant 0 : i32
    return %arg0, %c0_i32 : i32, i32
  }
}

</mosaic_0001>

<sc_bundles>
// kernel: gather_offload_async_start
scs
__scs_entry_jumppad:
0x0: {  	(pc) =	sbr.rel $0x88, $3  }
0x1: {  	(tag) =	ssettag $0x0;
	lr =	simm.s32 $0x1  }
0x2: {  	[smem:$0x3F8C] =	sst lr;
	_ =	strace $0xD0000000  }
0x3: {  	_ = 	snop  }
0x4: {  	_ = 	snop  }
0x5: {  	_ = 	snop  }
0x6: {  	_ = 	snop  }
0x7: {  	_ = 	snop  }
__scs_overlays_trampoline_lowered:
0x8: {  	[smem:$0x3F9B] =	sst s0  }
0x9: {  	[smem:$0x3F9C] =	sst s1  }
0xa: {  	[smem:$0x3F9D] =	sst s2  }
0xb: {  	[smem:$0x3F9E] =	sst s3  }
0xc: {  	[smem:$0x3F9F] =	sst s4  }
0xd: {  	[smem:$0x3FA0] =	sst s5  }
0xe: {  	[smem:$0x3FA1] =	sst s6  }
0xf: {  	[smem:$0x3FA2] =	sst s7  }
0x10: {  	[smem:$0x3FA3] =	sst s8  }
0x11: {  	[smem:$0x3FA4] =	sst s9;
	s0 =	simm.s32 @!p0 $0x0  }
0x12: {  	s1 =	sld [smem:$0x3F8A];
	s0 =	simm.s32 @p0 $0x1  }
0x13: {  	[smem:$0x3FA5] =	sst s0;
	s0 =	simm.s32 @!p1 $0x0  }
0x14: {  	s2 =	sld [smem:$0x3F89];
	s0 =	simm.s32 @p1 $0x1  }
0x15: {  	[smem:$0x3FA6] =	sst s0;
	s0 =	simm.s32 @!p2 $0x0  }
0x16: {  	s3 =	sld [smem:$0x3FDB];
	s0 =	simm.s32 @p2 $0x1  }
0x17: {  	s4 =	simm.s32 $0x1BF5;
	[smem:$0x3FA8] =	sst s0  }
0x18: {  	s0 =	sld [smem:$0x3F8B];
	_ =	swait.ge [sflag:s4], $0x0  }
0x19: {  	s7 =	sld [smem:$0x3F8C]  }
0x1a: {  	s8 =	sadd.s32 $0xFFFFE003, lr  }
0x1b: {  	s9 =	sadd.s32 $0xFFFFFEF7, lr;
	s5 =	simm.s32 $0xFFFFFFFF;
	p2 =	slt.u32 s8, $0xFFFFF086  }
0x1c: {  	p1 =	slt.u32 s9, $0xF7A;
	s5 =	simm.s32 @!p2 $0x0  }
0x1d: {  	s5 =	simm.s32 @p1 $0x1;
	p0 =	seq.s32 s7, s2  }
0x1e: {  	s7 =	smul.u32 @!p0 $0xF7A, s2;
	p2 =	seq.s32 @!p0 s5, $0x0  }
0x1f: {  	s9 =	smul.u32 $0xF7A, s1;
	s8 =	simm.s32 @!p0 $0x1BF5;
	p2 =	por !p2, p0  }
0x20: {  	[sflag:s8] =	ssyncset.s32 @!p0 $0xFFFFF086;
	s6 =	sadd.s32 @!p0 s3, s7;
	s7 =	simm.s32 @!p0 $0x108  }
0x21: {  	s3 =	sadd.s32 s3, s9;
	s6 =	sadd.s32 @!p0 $0x88, s6;
	s7 =	simm.s32 @p2 $0x1082  }
0x22: {  	[simem:s7], [sflag:s8] =	dma.local @!p0 [hbm:s6], $0xF7A  }
0x23: {  	s9 =	sor.u32 $0xD0000000, s2;
	s6 =	simm.s32 $0x108;
	_ =	swait.ge @!p0 [sflag:s8], $0x0  }
0x24: {  	s3 =	sadd.s32 $0x88, s3;
	s6 =	simm.s32 @!p1 $0x1082;
	[sflag:s4] =	ssyncset.s32 $0xFFFFF086  }
0x25: {  	[simem:s6], [sflag:s4] =	dma.local [hbm:s3], $0xF7A  }
0x26: {  	[smem:$0x3F8C] =	sst s1;
	(tag) =	ssettag s2;
	_ =	strace s9  }
0x27: {  	s1 =	sld [smem:$0x3F9C]  }
0x28: {  	s2 =	sld [smem:$0x3F9D]  }
0x29: {  	s4 =	sld [smem:$0x3F9F]  }
0x2a: {  	p0 =	seq.s32 s5, $0x0;
	s5 =	sld [smem:$0x3FA0]  }
0x2b: {  	s6 =	sld [smem:$0x3FA1]  }
0x2c: {  	s7 =	sld [smem:$0x3FA2]  }
0x2d: {  	s3 =	simm.s32 $0x108;
	s8 =	sld [smem:$0x3FA3]  }
0x2e: {  	s3 =	simm.s32 @!p0 $0x1082;
	s9 =	sld [smem:$0x3FA4]  }
0x2f: {  	lr =	sadd.s32 s0, s3;
	s0 =	sld [smem:$0x3F9B]  }
0x30: {  	s3 =	sld [smem:$0x3F9E]  }
0x31: {  	[smem:$0x3FA7] =	sst s10  }
0x32: {  	s10 =	sld [smem:$0x3FA5];
	_ =	sdelay $0x3  }
0x33: {  	p0 =	seq.s32 s10, $0x1;
	s10 =	sld [smem:$0x3FA7];
	_ =	sdelay $0x3  }
0x34: {  	[smem:$0x3FA7] =	sst s10  }
0x35: {  	s10 =	sld [smem:$0x3FA6];
	_ =	sdelay $0x3  }
0x36: {  	p1 =	seq.s32 s10, $0x1;
	s10 =	sld [smem:$0x3FA7];
	_ =	sdelay $0x3  }
0x37: {  	[smem:$0x3FA7] =	sst s10  }
0x38: {  	s10 =	sld [smem:$0x3FA8]  }
0x39: {  	_ = 	snop;
	(pc) =	sbr.ind lr, $3  }
0x3a: {  	_ = 	snop  }
0x3b: {  	_ = 	snop  }
0x3c: {  	p2 =	seq.s32 s10, $0x1;
	s10 =	sld [smem:$0x3FA7]  }
0x3d: {  	_ =	shalt  }
0x3e: {  	_ =	shalt  }
0x3f: {  	_ =	shalt  }
0x40: {  	_ =	shalt  }
0x41: {  	_ =	shalt  }
0x42: {  	_ =	shalt  }
0x43: {  	_ =	shalt  }
0x44: {  	_ =	shalt  }
0x45: {  	_ =	shalt  }
0x46: {  	_ =	shalt  }
0x47: {  	_ =	shalt  }
0x48: {  	_ =	shalt  }
0x49: {  	_ =	shalt  }
0x4a: {  	_ =	shalt  }
0x4b: {  	_ =	shalt  }
0x4c: {  	_ =	shalt  }
0x4d: {  	_ =	shalt  }
0x4e: {  	_ =	shalt  }
0x4f: {  	_ =	shalt  }
0x50: {  	_ =	shalt  }
0x51: {  	_ =	shalt  }
0x52: {  	_ =	shalt  }
0x53: {  	_ =	shalt  }
0x54: {  	_ =	shalt  }
0x55: {  	_ =	shalt  }
0x56: {  	_ =	shalt  }
0x57: {  	_ =	shalt  }
0x58: {  	_ =	shalt  }
0x59: {  	_ =	shalt  }
0x5a: {  	_ =	shalt  }
0x5b: {  	_ =	shalt  }
0x5c: {  	_ =	shalt  }
0x5d: {  	_ =	shalt  }
0x5e: {  	_ =	shalt  }
0x5f: {  	_ =	shalt  }
0x60: {  	_ =	shalt  }
0x61: {  	_ =	shalt  }
0x62: {  	_ =	shalt  }
0x63: {  	_ =	shalt  }
0x64: {  	_ =	shalt  }
0x65: {  	_ =	shalt  }
0x66: {  	_ =	shalt  }
0x67: {  	_ =	shalt  }
0x68: {  	_ =	shalt  }
0x69: {  	_ =	shalt  }
0x6a: {  	_ =	shalt  }
0x6b: {  	_ =	shalt  }
0x6c: {  	_ =	shalt  }
0x6d: {  	_ =	shalt  }
0x6e: {  	_ =	shalt  }
0x6f: {  	_ =	shalt  }
0x70: {  	_ =	shalt  }
0x71: {  	_ =	shalt  }
0x72: {  	_ =	shalt  }
0x73: {  	_ =	shalt  }
0x74: {  	_ =	shalt  }
0x75: {  	_ =	shalt  }
0x76: {  	_ =	shalt  }
0x77: {  	_ =	shalt  }
0x78: {  	_ =	shalt  }
0x79: {  	_ =	shalt  }
0x7a: {  	_ =	shalt  }
0x7b: {  	_ =	shalt  }
0x7c: {  	_ =	shalt  }
0x7d: {  	_ =	shalt  }
0x7e: {  	_ =	shalt  }
0x7f: {  	_ =	shalt  }
0x80: {  	_ =	shalt  }
0x81: {  	_ =	shalt  }
0x82: {  	_ =	shalt  }
0x83: {  	_ =	shalt  }
0x84: {  	_ =	shalt  }
0x85: {  	_ =	shalt  }
0x86: {  	_ =	shalt  }
0x87: {  	_ =	shalt  }
.Lfunc_end0:
.L_simem_size_0:
called_computation_lowered:
.L_overlay_start_0:
0x88: {  	s2 =	sld [smem:$0x3FD9]  }
0x89: {  	s3 =	sld [smem:$0x3FFE];
	_ =	sdelay $0x1  }
0x8a: {  	s1 =	srdreg.scid  }
0x8b: {  	s0 =	sand.u32 $0x1, s1  }
0x8c: {  	s17 =	sshll.u32 s0, $0xA;
	s2 =	sadd.s32 s3, s2  }
0x8d: {  	s2 =	sadd.s32 s2, s17  }
0x8e: {  	[smem:$0x3FB3] =	sst s2  }
0x8f: {  	_ = 	snop  }
0x90: {  	s2 =	sld [smem:$0x3FC9]  }
0x91: {  	s18 =	sld [smem:$0x3FD0];
	(tm) =	ssettm $0x1  }
0x92: {  	s4 =	sld [smem:$0x3FFB];
	_ =	sdelay $0x3  }
0x93: {  	_ =	strace s4  }
0x94: {  	s4 =	sld [smem:$0x3FFC];
	_ =	sdelay $0x3  }
0x95: {  	_ =	strace s4  }
0x96: {  	s4 =	sld [smem:$0x3FFD];
	_ =	sdelay $0x3  }
0x97: {  	_ =	strace s4  }
0x98: {  	_ =	strace $0x8FFFFFFF  }
0x99: {  	s19 =	sld [smem:$0x3FDB];
	_ =	sdelay $0x1  }
0x9a: {  	s5 =	simm.s32 $_scs_section_size  }
0x9b: {  	s6 =	simm.s32 $_size__tile_overlayer_lowered;
	s7 =	simm.s32 $_tile_overlayer_lowered  }
0x9c: {  	s22 =	simm.s32 $0x1BFF;
	s21 =	sshll.u32 s7, $0x1;
	s4 =	sadd.s32 s5, s19  }
0x9d: {  	s8 =	simm.s32 $0x0;
	s20 =	sshll.u32 s6, $0x1;
	s6 =	sadd.s32 s21, s4  }
0x9e: {  	[timem:s8], [sflag:s22] =	dma.local [hbm:s6], s20  }
0x9f: {  	_ =	swait.ge [sflag:s22], s20  }
0xa0: {  	s5 =	ssub.s32 $0x0, s20;
	[sflag:s22] =	ssyncset.done $0x0  }
0xa1: {  	[sflag:s22] =	ssyncadd.s32 s5;
	_ =	sdelay $0x1  }
0xa2: {  	s23 =	simm.s32 $0x1B8B  }
0xa3: {  	_ =	swait.ge [sflag:s23], $0x1  }
0xa4: {  	[sflag:s23] =	ssyncset.done $0x0  }
0xa5: {  	s25 =	simm.s32 $0x1B8E;
	s24 =	sld [smem:$0x3FFE];
	[sflag:s23] =	ssyncadd.s32 $0xFFFFFFFF  }
0xa6: {  	s26 =	simm.s32 $execute0_lowered;
	[smem:$0x3FD2] =	sst s25  }
0xa7: {  	s6 =	sshll.u32 s26, $0x1;
	_ =	strace $0x80000046;
	[dreg:$0x1] =	wrdreg $0xFFFFFFFF  }
0xa8: {  	s28 =	simm.s32 $_size_execute0_lowered;
	s4 =	sadd.s32 s4, s6;
	[dreg:$0x0] =	wrdreg $0x0  }
0xa9: {  	s6 =	sshll.u32 s28, $0x1;
	[dreg:$0x2] =	wrdreg s4  }
0xaa: {  	[dreg:$0x3] =	wrdreg s6  }
0xab: {  	[dreg:$0x4] =	wrdreg $0xC0  }
0xac: {  	_ =	task [dreg:s8], $0x5FFFF  }
0xad: {  	[dreg:$0x1] =	wrdreg $0xFFFFFFFF  }
0xae: {  	[dreg:$0x0] =	wrdreg $0x60  }
0xaf: {  	[dreg:$0x2] =	wrdreg s2  }
0xb0: {  	[dreg:$0x3] =	wrdreg s18  }
0xb1: {  	[dreg:$0x4] =	wrdreg s24  }
0xb2: {  	[dreg:$0x5] =	wrdreg $0x9  }
0xb3: {  	_ =	task.clear_ibuf [dreg:s8], $0x6FFFF;
	_ =	strace $0x90000046  }
0xb4: {  	s29 =	simm.s32 $0x9;
	_ =	strace $0x80000048  }
0xb5: {  	_ =	swait.ge [sflag:s29], $0x1  }
0xb6: {  	[sflag:s29] =	ssyncadd.s32 $0xFFFFFFFF  }
0xb7: {  	_ =	strace $0x90000048  }
0xb8: {  	_ =	sfence  }
0xb9: {  	s30 =	sld [smem:$0x0];
	_ =	sdelay $0x2  }
0xba: {  	s31 =	sshll.u32 s1, $0xD;
	s1 =	sshrl.u32 s1, $0x2  }
0xbb: {  	s3 =	sand.u32 $0x4000, s31;
	s1 =	sadd.s32 s1, s30  }
0xbc: {  	s0 =	sor.u32 s3, s0;
	s1 =	sshll.u32 s1, $0x11  }
0xbd: {  	s0 =	sor.u32 s1, s0  }
0xbe: {  	s0 =	sadd.s32 $0x8F2B, s0  }
0xbf: {  	[sflag:s0] =	ssyncadd.remote.s32 $0x1  }
0xc0: {  	_ =	sfence.sel $0xFFFF  }
0xc1: {  	[dreg:$0x0] =	wrdreg $0xFFFFFFFF;
	(pc) =	sbr.abs _section_cstart, $3  }
0xc2: {  	[dreg:$0x1] =	wrdreg $0xFFFFFFFF  }
0xc3: {  	_ =	task.clear_ibuf [dreg:s8], $0x2FFFF;
	_ =	strace $0x9FFFFFFF  }
0xc4: {  	(tm) =	ssettm $0x7FFFFFFF  }
0xc5: {  	_ =	shalt  }
tec
execute0_lowered:
.L_overlay_start_1:
0x0: {  	(tag) =	ssettag $0x1  }
0x1: {  	s2 =	rddreg [dreg:$0x0]  }
0x2: {  	s1 =	srdreg.scid;
	s3 =	rddreg [dreg:$0x1]  }
0x3: {  	s0 =	stileid.u32;
	s5 =	rddreg [dreg:$0x2]  }
0x4: {  	s9 =	simm.s32 $0x1;
	s10 =	simm.s32 $0x3;
	s1 =	sshll.u32 s1, $0x8  }
0x5: {  	s13 =	simm.s32 $0x0;
	s4 =	sshll.u32 s0, $0x9;
	s6 =	sand.u32 $0x100, s1  }
0x6: {  	s12 =	simm.s32 $0x0;
	s5 =	sadd.s32 $0x2E00, s5;
	s4 =	sor.u32 s4, s6  }
0x7: {  	s1 =	rddreg [dreg:$0x3];
	_ =	strace $0x80000047;
	s8 =	ssub.s32 $0x4000, s4  }
.Ltmp0:
0x8: {  	s6 =	simm.s32 $0x1;
	s7 =	sand.u32 $0x1F00, s8;
	(pc) =	sbr.rel .LBB2_1-.Ltmp0, $4  }
0x9: {  	[sflag:s6] =	ssyncpa.u1 $0x0;
	s11 =	smov.u32 s4;
	p0 =	sne.s32 s7, $0x0  }
0xa: {  	s8 =	sshrl.u32 s8, $0xD;
	s7 =	simm.s32 $0x2;
	s9 =	simm.s32 @!p0 $0x0  }
0xb: {  	[sflag:s7] =	ssyncpa.u1 $0x0;
	p0 =	por $0x0, $0x0;
	s8 =	sadd.s32 s9, s8  }
0xc: {  	vm0 =	vmmov $0xffff;
	[sflag:s10] =	ssyncpa.u1 $0x0;
	s10 =	simm.s32 $0x0;
	s9 =	sadd.s32 $0x1, s8  }
.LBB2_4:
0xd: {  	v2 =	vnsel vm1, $0x0, v2  }
0xe: {  	vm1 =	vgt.s32 v0, $0x0;
	v2 =	vmin.u32 v2, $0x3FFF  }
0xf: {  	v0 =	vnsel vm1, $0x0, v0  }
0x10: {  	v0 =	vmin.u32 v0, $0x3FFF  }
0x11: {  	[tilespmem:s15], [sflag:$0x1] =	stream.indirect_vreg.gather [hbm4b:s2+s10], $0x1, v1, vm0, $0x4038;
	[tilespmem:$0x400] =	vst v63  }
0x12: {  	(ifvalue) =	ssetifvalue $0x7FFFFFFF  }
0x13: {  	[tilespmem:s16], [sflag:$0x1] =	stream.indirect_vreg.gather [hbm4b:s2+s10], $0x1, v2, vm0, $0x4038;
	[tilespmem:$0x400] =	vst v63  }
0x14: {  	s29 =	sadd.s32 $0x10, s16;
	(ifvalue) =	ssetifvalue $0x7FFFFFFF  }
0x15: {  	[tilespmem:s29], [sflag:$0x1] =	stream.indirect_vreg.gather [hbm4b:s2+s10], $0x1, v0, vm0, $0x4038;
	[tilespmem:$0x400] =	vst v63  }
0x16: {  	_ =	swait.ge [sflag:s6], $0x100  }
0x17: {  	s30 =	sshrl.u32 s13, $0x3;
	[sflag:s6] =	ssyncset.done $0x0  }
0x18: {  	s31 =	sand.u32 $0x7, s13;
	s15 =	sadd.s32 s5, s30;
	[sflag:s6] =	ssyncadd.s32 $0xFFFFFF00  }
0x19: {  	[hbm4b:s15+s31] =	stream.linear.scatter [tilespmem:s14], [sflag:$0x3], $0x100, $0x38;
	[tilespmem:$0x400] =	vst v63  }
.LBB2_5:
0x1a: {  	s15 =	sadd.s32 $0x2000, s11  }
0x1b: {  	p2 =	sgt.s32 s15, $0x3FFF  }
0x1c: {  	s15 =	smov.u32 @p2 s4;
	p2 =	sne.s32 s12, s9  }
.Ltmp1:
0x1d: {  	p1 =	slt.u32 s12, $0x2;
	(pc) =	sbr.rel @!p2 .LBB2_6-.Ltmp1, $4  }
0x1e: {  	s14 =	simm.s32 @!p1 $0x3  }
0x1f: {  	s16 =	sadd.s32 $0x1, s12;
	_ =	swait.ge @!p1 [sflag:s14], $0x100  }
0x20: {  	s13 =	smov.u32 s11;
	p0 =	por !p0, !p0;
	[sflag:s14] =	ssyncset.done @!p1 $0x0  }
0x21: {  	s12 =	smov.u32 s16;
	s11 =	smov.u32 s15;
	[sflag:s14] =	ssyncadd.s32 @!p1 $0xFFFFFF00  }
.LBB2_1:
0x22: {  	p1 =	sge.u32 s12, s8  }
0x23: {  	s14 =	sxor.u32 @!p1 $0xFFFFFFFF, s12  }
0x24: {  	s31 =	sadd.s32 $0xFFFFFFFF, s12;
	s15 =	sshrl.u32 @!p1 s11, $0x3;
	s14 =	sshll.u32 @!p1 s14, $0x8  }
0x25: {  	s16 =	sand.u32 @!p1 $0x7, s11;
	s15 =	sadd.s32 @!p1 s3, s15;
	s14 =	sand.u32 @!p1 $0x100, s14  }
0x26: {  	[tilespmem:s14], [sflag:$0x2] =	stream.linear.gather @!p1 [hbm4b:s15+s16], $0x100, $0x38;
	[tilespmem:$0x400] =	vst v63  }
0x27: {  	p1 =	sge.u32 s31, s8  }
.Ltmp2:
0x28: {  	_ = 	snop;
	(pc) =	sbr.rel @p1 .LBB2_5-.Ltmp2, $1  }
0x29: {  	_ =	sdelay $0x3  }
0x2a: {  	s14 =	simm.s32 $0x1  }
0x2b: {  	_ =	swait.ge [sflag:s7], $0x100;
	s14 =	simm.s32 @!p0 $0x0  }
0x2c: {  	[sflag:s7] =	ssyncset.done $0x0;
	s14 =	sshll.u32 s14, $0x8  }
0x2d: {  	[sflag:s7] =	ssyncadd.s32 $0xFFFFFF00;
	(ifvalue) =	ssetifvalue $0x7FFFFFFF;
	v0 =	vld.msk [tilespmem:s14+$0x0 ss:$0x1], $0xffff;
	_ =	sdelay $0x4  }
0x2e: {  	s15 =	sadd.s32 $0x10, s14;
	vm1 =	vgt.s32 v0, $0x0  }
0x2f: {  	v2 =	vld.msk [tilespmem:s15+$0x0 ss:$0x1], $0xffff;
	v1 =	vnsel vm1, $0x0, v0  }
0x30: {  	v1 =	vmin.u32 v1, $0x3FFF;
	_ =	sdelay $0x1  }
0x31: {  	s16 =	sshll.u32 s12, $0x8;
	s18 =	simm.s32 $0x20  }
0x32: {  	s16 =	sand.u32 $0x100, s16;
	s17 =	sadd.s32 $0x10, s15;
	s15 =	sor.u32 $0x200, s14  }
0x33: {  	s14 =	sor.u32 $0x200, s16;
	s16 =	sadd.s32 $0x10, s15;
	v0 =	vld.msk [tilespmem:s17+$0x0 ss:$0x1], $0xffff;
	vm1 =	vgt.s32 v2, $0x0;
	(ifvalue) =	ssetifvalue $0x7FFFFFFF  }
.LBB2_3:
0x34: {  	[tilespmem:s15], [sflag:$0x1] =	stream.indirect_vreg.gather [hbm4b:s2+s10], $0x1, v1, vm0, $0x4038;
	[tilespmem:$0x400] =	vst v63  }
0x35: {  	s18 =	sadd.s32 $0x10, s18  }
0x36: {  	v2 =	vnsel vm1, $0x0, v2;
	p1 =	slt.u32 s18, $0xF0  }
.Ltmp3:
0x37: {  	s15 =	smov.u32 s16;
	v1 =	vmin.u32 v2, $0x3FFF;
	(pc) =	sbr.rel @p1 .LBB2_3-.Ltmp3, $3  }
0x38: {  	_ =	sdelay $0x1  }
0x39: {  	s17 =	sadd.s32 $0x10, s17  }
0x3a: {  	vm1 =	vgt.s32 v0, $0x0;
	s16 =	sadd.s32 $0x10, s16;
	v2 =	vmov v0;
	(ifvalue) =	ssetifvalue $0x7FFFFFFF;
	v0 =	vld.msk [tilespmem:s17+$0x0 ss:$0x1], $0xffff  }
.Ltmp4:
0x3b: {  	_ = 	snop;
	(pc) =	sbr.rel .LBB2_4-.Ltmp4, $1  }
0x3c: {  	_ =	sdelay $0x3  }
.LBB2_6:
0x3d: {  	_ =	sfence.sel $0x180000  }
0x3e: {  	s2 =	simm.s32 $0x2;
	[bflag:$0x0] =	sbarrier.arrive $0xFFFF  }
0x3f: {  	s30 =	simm.s32 $0x3;
	[sflag:s2] =	ssyncpa.u1 $0x1  }
0x40: {  	s31 =	simm.s32 $0x1;
	[sflag:s30] =	ssyncpa.u1 $0x1  }
0x41: {  	[sflag:s31] =	ssyncpa.u1 $0x1  }
0x42: {  	p0 =	sne.s32 s0, $0x0;
	_ =	strace $0x90000047  }
0x43: {  	s0 =	sadd.s32 @!p0 $0x100000, s1;
	[bflag:$0x2] =	sbarrier.arrive $0xFFFF  }
0x44: {  	[sflag:s0] =	ssyncadd.tile.s32 @!p0 $0x1;
	_ =	shalt  }
.Lfunc_end2:
_tile_overlayer_lowered:
.L_overlay_start_2:
0x45: {  	(tag) =	ssettag $0x2  }
0x46: {  	s0 =	rddreg [dreg:$0x0];
	s2 =	stileid.u32  }
0x47: {  	s1 =	rddreg [dreg:$0x1];
	p0 =	sne.s32 s2, $0x0  }
0x48: {  	s3 =	rddreg [dreg:$0x2];
	[bflag:$0x3] =	sbarrier.arrive $0xFFFF;
	s2 =	simm.s32 @!p0 $0x1C01  }
0x49: {  	[timem:s3], [sflag:s2] =	dma.local @!p0 [hbm:s0], s1  }
0x4a: {  	s0 =	simm.s32 @!p0 $0x1  }
0x4b: {  	_ =	swait.ge @!p0 [sflag:s0], s1  }
0x4c: {  	s1 =	ssub.s32 @!p0 $0x0, s1;
	[sflag:s0] =	ssyncset.done @!p0 $0x0  }
0x4d: {  	[sflag:s0] =	ssyncadd.s32 @!p0 s1  }
0x4e: {  	[bflag:$0x3] =	sbarrier.arrive $0xFFFF  }
0x4f: {  	_ =	shalt  }

// kernel: kernel.5.cloned.1.call-start
scs
__scs_entry_jumppad:
0x0: {  	(pc) =	sbr.rel $0x88, $3  }
0x1: {  	(tag) =	ssettag $0x0;
	lr =	simm.s32 $0x1  }
0x2: {  	[smem:$0x3F8C] =	sst lr;
	_ =	strace $0xD0000000  }
0x3: {  	_ = 	snop  }
0x4: {  	_ = 	snop  }
0x5: {  	_ = 	snop  }
0x6: {  	_ = 	snop  }
0x7: {  	_ = 	snop  }
__scs_overlays_trampoline_lowered:
0x8: {  	[smem:$0x3F9B] =	sst s0  }
0x9: {  	[smem:$0x3F9C] =	sst s1  }
0xa: {  	[smem:$0x3F9D] =	sst s2  }
0xb: {  	[smem:$0x3F9E] =	sst s3  }
0xc: {  	[smem:$0x3F9F] =	sst s4  }
0xd: {  	[smem:$0x3FA0] =	sst s5  }
0xe: {  	[smem:$0x3FA1] =	sst s6  }
0xf: {  	[smem:$0x3FA2] =	sst s7  }
0x10: {  	[smem:$0x3FA3] =	sst s8  }
0x11: {  	[smem:$0x3FA4] =	sst s9;
	s0 =	simm.s32 @!p0 $0x0  }
0x12: {  	s1 =	sld [smem:$0x3F8A];
	s0 =	simm.s32 @p0 $0x1  }
0x13: {  	[smem:$0x3FA5] =	sst s0;
	s0 =	simm.s32 @!p1 $0x0  }
0x14: {  	s2 =	sld [smem:$0x3F89];
	s0 =	simm.s32 @p1 $0x1  }
0x15: {  	[smem:$0x3FA6] =	sst s0;
	s0 =	simm.s32 @!p2 $0x0  }
0x16: {  	s3 =	sld [smem:$0x3FDB];
	s0 =	simm.s32 @p2 $0x1  }
0x17: {  	s4 =	simm.s32 $0x1BF5;
	[smem:$0x3FA8] =	sst s0  }
0x18: {  	s0 =	sld [smem:$0x3F8B];
	_ =	swait.ge [sflag:s4], $0x0  }
0x19: {  	s7 =	sld [smem:$0x3F8C]  }
0x1a: {  	s8 =	sadd.s32 $0xFFFFE003, lr  }
0x1b: {  	s9 =	sadd.s32 $0xFFFFFEF7, lr;
	s5 =	simm.s32 $0xFFFFFFFF;
	p2 =	slt.u32 s8, $0xFFFFF086  }
0x1c: {  	p1 =	slt.u32 s9, $0xF7A;
	s5 =	simm.s32 @!p2 $0x0  }
0x1d: {  	s5 =	simm.s32 @p1 $0x1;
	p0 =	seq.s32 s7, s2  }
0x1e: {  	s7 =	smul.u32 @!p0 $0xF7A, s2;
	p2 =	seq.s32 @!p0 s5, $0x0  }
0x1f: {  	s9 =	smul.u32 $0xF7A, s1;
	s8 =	simm.s32 @!p0 $0x1BF5;
	p2 =	por !p2, p0  }
0x20: {  	[sflag:s8] =	ssyncset.s32 @!p0 $0xFFFFF086;
	s6 =	sadd.s32 @!p0 s3, s7;
	s7 =	simm.s32 @!p0 $0x108  }
0x21: {  	s3 =	sadd.s32 s3, s9;
	s6 =	sadd.s32 @!p0 $0x88, s6;
	s7 =	simm.s32 @p2 $0x1082  }
0x22: {  	[simem:s7], [sflag:s8] =	dma.local @!p0 [hbm:s6], $0xF7A  }
0x23: {  	s9 =	sor.u32 $0xD0000000, s2;
	s6 =	simm.s32 $0x108;
	_ =	swait.ge @!p0 [sflag:s8], $0x0  }
0x24: {  	s3 =	sadd.s32 $0x88, s3;
	s6 =	simm.s32 @!p1 $0x1082;
	[sflag:s4] =	ssyncset.s32 $0xFFFFF086  }
0x25: {  	[simem:s6], [sflag:s4] =	dma.local [hbm:s3], $0xF7A  }
0x26: {  	[smem:$0x3F8C] =	sst s1;
	(tag) =	ssettag s2;
	_ =	strace s9  }
0x27: {  	s1 =	sld [smem:$0x3F9C]  }
0x28: {  	s2 =	sld [smem:$0x3F9D]  }
0x29: {  	s4 =	sld [smem:$0x3F9F]  }
0x2a: {  	p0 =	seq.s32 s5, $0x0;
	s5 =	sld [smem:$0x3FA0]  }
0x2b: {  	s6 =	sld [smem:$0x3FA1]  }
0x2c: {  	s7 =	sld [smem:$0x3FA2]  }
0x2d: {  	s3 =	simm.s32 $0x108;
	s8 =	sld [smem:$0x3FA3]  }
0x2e: {  	s3 =	simm.s32 @!p0 $0x1082;
	s9 =	sld [smem:$0x3FA4]  }
0x2f: {  	lr =	sadd.s32 s0, s3;
	s0 =	sld [smem:$0x3F9B]  }
0x30: {  	s3 =	sld [smem:$0x3F9E]  }
0x31: {  	[smem:$0x3FA7] =	sst s10  }
0x32: {  	s10 =	sld [smem:$0x3FA5];
	_ =	sdelay $0x3  }
0x33: {  	p0 =	seq.s32 s10, $0x1;
	s10 =	sld [smem:$0x3FA7];
	_ =	sdelay $0x3  }
0x34: {  	[smem:$0x3FA7] =	sst s10  }
0x35: {  	s10 =	sld [smem:$0x3FA6];
	_ =	sdelay $0x3  }
0x36: {  	p1 =	seq.s32 s10, $0x1;
	s10 =	sld [smem:$0x3FA7];
	_ =	sdelay $0x3  }
0x37: {  	[smem:$0x3FA7] =	sst s10  }
0x38: {  	s10 =	sld [smem:$0x3FA8]  }
0x39: {  	_ = 	snop;
	(pc) =	sbr.ind lr, $3  }
0x3a: {  	_ = 	snop  }
0x3b: {  	_ = 	snop  }
0x3c: {  	p2 =	seq.s32 s10, $0x1;
	s10 =	sld [smem:$0x3FA7]  }
0x3d: {  	_ =	shalt  }
0x3e: {  	_ =	shalt  }
0x3f: {  	_ =	shalt  }
0x40: {  	_ =	shalt  }
0x41: {  	_ =	shalt  }
0x42: {  	_ =	shalt  }
0x43: {  	_ =	shalt  }
0x44: {  	_ =	shalt  }
0x45: {  	_ =	shalt  }
0x46: {  	_ =	shalt  }
0x47: {  	_ =	shalt  }
0x48: {  	_ =	shalt  }
0x49: {  	_ =	shalt  }
0x4a: {  	_ =	shalt  }
0x4b: {  	_ =	shalt  }
0x4c: {  	_ =	shalt  }
0x4d: {  	_ =	shalt  }
0x4e: {  	_ =	shalt  }
0x4f: {  	_ =	shalt  }
0x50: {  	_ =	shalt  }
0x51: {  	_ =	shalt  }
0x52: {  	_ =	shalt  }
0x53: {  	_ =	shalt  }
0x54: {  	_ =	shalt  }
0x55: {  	_ =	shalt  }
0x56: {  	_ =	shalt  }
0x57: {  	_ =	shalt  }
0x58: {  	_ =	shalt  }
0x59: {  	_ =	shalt  }
0x5a: {  	_ =	shalt  }
0x5b: {  	_ =	shalt  }
0x5c: {  	_ =	shalt  }
0x5d: {  	_ =	shalt  }
0x5e: {  	_ =	shalt  }
0x5f: {  	_ =	shalt  }
0x60: {  	_ =	shalt  }
0x61: {  	_ =	shalt  }
0x62: {  	_ =	shalt  }
0x63: {  	_ =	shalt  }
0x64: {  	_ =	shalt  }
0x65: {  	_ =	shalt  }
0x66: {  	_ =	shalt  }
0x67: {  	_ =	shalt  }
0x68: {  	_ =	shalt  }
0x69: {  	_ =	shalt  }
0x6a: {  	_ =	shalt  }
0x6b: {  	_ =	shalt  }
0x6c: {  	_ =	shalt  }
0x6d: {  	_ =	shalt  }
0x6e: {  	_ =	shalt  }
0x6f: {  	_ =	shalt  }
0x70: {  	_ =	shalt  }
0x71: {  	_ =	shalt  }
0x72: {  	_ =	shalt  }
0x73: {  	_ =	shalt  }
0x74: {  	_ =	shalt  }
0x75: {  	_ =	shalt  }
0x76: {  	_ =	shalt  }
0x77: {  	_ =	shalt  }
0x78: {  	_ =	shalt  }
0x79: {  	_ =	shalt  }
0x7a: {  	_ =	shalt  }
0x7b: {  	_ =	shalt  }
0x7c: {  	_ =	shalt  }
0x7d: {  	_ =	shalt  }
0x7e: {  	_ =	shalt  }
0x7f: {  	_ =	shalt  }
0x80: {  	_ =	shalt  }
0x81: {  	_ =	shalt  }
0x82: {  	_ =	shalt  }
0x83: {  	_ =	shalt  }
0x84: {  	_ =	shalt  }
0x85: {  	_ =	shalt  }
0x86: {  	_ =	shalt  }
0x87: {  	_ =	shalt  }
.Lfunc_end0:
.L_simem_size_0:
called_computation.1_lowered:
.L_overlay_start_0:
0x88: {  	s2 =	sld [smem:$0x3FD9]  }
0x89: {  	s3 =	sld [smem:$0x3FFE];
	_ =	sdelay $0x1  }
0x8a: {  	s1 =	srdreg.scid  }
0x8b: {  	s0 =	sand.u32 $0x1, s1  }
0x8c: {  	s17 =	sshll.u32 s0, $0xA;
	s2 =	sadd.s32 s3, s2  }
0x8d: {  	s2 =	sadd.s32 s2, s17  }
0x8e: {  	[smem:$0x3FB3] =	sst s2  }
0x8f: {  	_ = 	snop  }
0x90: {  	s2 =	sld [smem:$0x3FC8]  }
0x91: {  	s18 =	sld [smem:$0x3FC7]  }
0x92: {  	s4 =	sld [smem:$0x3FC6]  }
0x93: {  	s5 =	sld [smem:$0x3FC5]  }
0x94: {  	s6 =	sld [smem:$0x3FC4]  }
0x95: {  	s7 =	sld [smem:$0x3FC3]  }
0x96: {  	s8 =	sld [smem:$0x3FC2]  }
0x97: {  	s9 =	sld [smem:$0x3FD0];
	(tm) =	ssettm $0x1  }
0x98: {  	s10 =	sld [smem:$0x3FFB];
	_ =	sdelay $0x3  }
0x99: {  	_ =	strace s10  }
0x9a: {  	s10 =	sld [smem:$0x3FFC];
	_ =	sdelay $0x3  }
0x9b: {  	_ =	strace s10  }
0x9c: {  	s10 =	sld [smem:$0x3FFD];
	_ =	sdelay $0x3  }
0x9d: {  	_ =	strace s10  }
0x9e: {  	_ =	strace $0x8FFFFFFF  }
0x9f: {  	s19 =	sld [smem:$0x3FDB];
	_ =	sdelay $0x1  }
0xa0: {  	s11 =	simm.s32 $_scs_section_size  }
0xa1: {  	s12 =	simm.s32 $_size__tile_overlayer_lowered;
	s13 =	simm.s32 $_tile_overlayer_lowered  }
0xa2: {  	s22 =	simm.s32 $0x1BFF;
	s21 =	sshll.u32 s13, $0x1;
	s10 =	sadd.s32 s11, s19  }
0xa3: {  	s14 =	simm.s32 $0x0;
	s20 =	sshll.u32 s12, $0x1;
	s12 =	sadd.s32 s21, s10  }
0xa4: {  	[timem:s14], [sflag:s22] =	dma.local [hbm:s12], s20  }
0xa5: {  	_ =	swait.ge [sflag:s22], s20  }
0xa6: {  	s11 =	ssub.s32 $0x0, s20;
	[sflag:s22] =	ssyncset.done $0x0  }
0xa7: {  	[sflag:s22] =	ssyncadd.s32 s11;
	_ =	sdelay $0x1  }
0xa8: {  	s23 =	simm.s32 $0x1B8B  }
0xa9: {  	_ =	swait.ge [sflag:s23], $0x1  }
0xaa: {  	[sflag:s23] =	ssyncset.done $0x0  }
0xab: {  	s25 =	simm.s32 $0x1B8E;
	s24 =	sld [smem:$0x3FFE];
	[sflag:s23] =	ssyncadd.s32 $0xFFFFFFFF  }
0xac: {  	s26 =	simm.s32 $execute0_lowered;
	[smem:$0x3FD2] =	sst s25  }
0xad: {  	s12 =	sshll.u32 s26, $0x1;
	_ =	strace $0x80000049;
	[dreg:$0x1] =	wrdreg $0xFFFFFFFF  }
0xae: {  	s28 =	simm.s32 $_size_execute0_lowered;
	s10 =	sadd.s32 s10, s12;
	[dreg:$0x0] =	wrdreg $0x0  }
0xaf: {  	s12 =	sshll.u32 s28, $0x1;
	[dreg:$0x2] =	wrdreg s10  }
0xb0: {  	[dreg:$0x3] =	wrdreg s12  }
0xb1: {  	[dreg:$0x4] =	wrdreg $0xC0  }
0xb2: {  	_ =	task [dreg:s14], $0x5FFFF  }
0xb3: {  	[dreg:$0x1] =	wrdreg $0xFFFFFFFF  }
0xb4: {  	[dreg:$0x0] =	wrdreg $0x60  }
0xb5: {  	[dreg:$0x2] =	wrdreg s24  }
0xb6: {  	[dreg:$0x3] =	wrdreg s2  }
0xb7: {  	[dreg:$0x4] =	wrdreg s18  }
0xb8: {  	[dreg:$0x5] =	wrdreg s4  }
0xb9: {  	[dreg:$0x6] =	wrdreg s5  }
0xba: {  	[dreg:$0x7] =	wrdreg s6  }
0xbb: {  	[dreg:$0x8] =	wrdreg s7  }
0xbc: {  	[dreg:$0x9] =	wrdreg s8  }
0xbd: {  	[dreg:$0xa] =	wrdreg s9  }
0xbe: {  	[dreg:$0xb] =	wrdreg $0x9  }
0xbf: {  	_ =	task.clear_ibuf [dreg:s14], $0xCFFFF;
	_ =	strace $0x90000049  }
0xc0: {  	s29 =	simm.s32 $0x9;
	_ =	strace $0x8000004B  }
0xc1: {  	_ =	swait.ge [sflag:s29], $0x1  }
0xc2: {  	[sflag:s29] =	ssyncadd.s32 $0xFFFFFFFF  }
0xc3: {  	_ =	strace $0x9000004B  }
0xc4: {  	_ =	sfence  }
0xc5: {  	s30 =	sld [smem:$0x0];
	_ =	sdelay $0x2  }
0xc6: {  	s31 =	sshll.u32 s1, $0xD;
	s1 =	sshrl.u32 s1, $0x2  }
0xc7: {  	s3 =	sand.u32 $0x4000, s31;
	s1 =	sadd.s32 s1, s30  }
0xc8: {  	s0 =	sor.u32 s3, s0;
	s1 =	sshll.u32 s1, $0x11  }
0xc9: {  	s0 =	sor.u32 s1, s0  }
0xca: {  	s0 =	sadd.s32 $0x8F2B, s0  }
0xcb: {  	[sflag:s0] =	ssyncadd.remote.s32 $0x1  }
0xcc: {  	_ =	sfence.sel $0xFFFF  }
0xcd: {  	[dreg:$0x0] =	wrdreg $0xFFFFFFFF;
	(pc) =	sbr.abs _section_cstart, $3  }
0xce: {  	[dreg:$0x1] =	wrdreg $0xFFFFFFFF  }
0xcf: {  	_ =	task.clear_ibuf [dreg:s14], $0x2FFFF;
	_ =	strace $0x9FFFFFFF  }
0xd0: {  	(tm) =	ssettm $0x7FFFFFFF  }
0xd1: {  	_ =	shalt  }
tec
execute0_lowered:
.L_overlay_start_1:
0x0: {  	(tag) =	ssettag $0x1  }
0x1: {  	s0 =	rddreg [dreg:$0x0]  }
0x2: {  	s5 =	rddreg [dreg:$0x5]  }
0x3: {  	s6 =	rddreg [dreg:$0x6]  }
0x4: {  	s8 =	rddreg [dreg:$0x7]  }
0x5: {  	s1 =	rddreg [dreg:$0x8]  }
0x6: {  	s2 =	srdreg.scid;
	s7 =	stileid.u32  }
0x7: {  	s9 =	simm.s32 $0x0;
	s19 =	simm.s32 $0x6;
	s20 =	simm.s32 $0x7  }
0x8: {  	s21 =	simm.s32 $0x40;
	s16 =	simm.s32 $0xD280;
	s17 =	simm.s32 $0xDA80  }
0x9: {  	s14 =	simm.s32 $0x3;
	s15 =	simm.s32 $0x4;
	s22 =	simm.s32 $0x4280  }
0xa: {  	s28 =	simm.s32 $0x5;
	s2 =	sand.u32 $0x1, s2;
	s3 =	sshll.u32 s7, $0x7  }
0xb: {  	[smem:$0x7FF] =	sst s9;
	s7 =	sshll.u32 s7, $0xC;
	s4 =	sshll.u32 s2, $0x6  }
0xc: {  	_ =	strace $0x8000004A;
	s10 =	ssub.s32 $0x2, s2;
	s11 =	sadd.s32 s7, s0  }
0xd: {  	s2 =	sshll.u32 s2, $0xB;
	s25 =	sadd.s32 s7, s1;
	s1 =	simm.s32 $0xE280  }
0xe: {  	s7 =	simm.s32 $0x0;
	s3 =	sor.u32 s4, s3;
	s12 =	sshrl.u32 s10, $0x1  }
0xf: {  	s24 =	sadd.s32 s2, s11;
	s13 =	sadd.s32 s2, s25;
	s25 =	simm.s32 $0x2  }
0x10: {  	s2 =	simm.s32 $0xEA80;
	s4 =	sshrl.u32 s3, $0x3;
	s23 =	ssub.s32 s10, s12  }
0x11: {  	s12 =	sadd.s32 $0x103000, s24;
	s26 =	sadd.s32 $0x3000, s24;
	s29 =	sadd.s32 $0x83000, s24  }
0x12: {  	s30 =	sadd.s32 $0x40, s3;
	s24 =	simm.s32 $0x1;
	[dreg:$0xc] =	wrdreg s26  }
.Ltmp0:
0x13: {  	s10 =	simm.s32 $0xC280;
	[dreg:$0xd] =	wrdreg s29;
	(pc) =	sbr.rel .LBB2_1-.Ltmp0, $4  }
0x14: {  	s4 =	sadd.s32 s4, s0;
	s0 =	sadd.s32 $0x2E00, s0;
	[dreg:$0xe] =	wrdreg s30  }
0x15: {  	v2 =	vlaneseq.u32;
	s26 =	simm.s32 $0x280;
	[dreg:$0xa] =	wrdreg s0;
	s0 =	smax.u32 s23, $0x1  }
0x16: {  	vm0 =	vmmov $0xffff;
	v1 =	vshrl.u32 v2, $0x3;
	s31 =	sadd.s32 $0x2600, s4;
	s4 =	simm.s32 $0xFA80;
	[dreg:$0xb] =	wrdreg s0  }
0x17: {  	v0 =	vand.u32 $0x7, v2;
	v2 =	vor.u32 $0x8, v2;
	v1 =	vmul.u32 $0x8, v1;
	s23 =	simm.s32 $0x8280;
	[dreg:$0xf] =	wrdreg s31;
	s0 =	simm.s32 $0xF280  }
.LBB2_7:
0x18: {  	s7 =	rddreg [dreg:$0x10]  }
0x19: {  	s3 =	rddreg [dreg:$0xb];
	s7 =	sadd.s32 $0x1, s7  }
0x1a: {  	p0 =	sne.s32 s7, s3  }
.Ltmp1:
0x1b: {  	_ = 	snop;
	(pc) =	sbr.rel @!p0 .LBB2_8-.Ltmp1, $1  }
0x1c: {  	_ =	sdelay $0x3  }
.LBB2_1:
0x1d: {  	[dreg:$0x10] =	wrdreg s7  }
0x1e: {  	s3 =	rddreg [dreg:$0xa];
	s18 =	simm.s32 $0x10280  }
0x1f: {  	[tilespmem:s18], [sflag:$0x6] =	stream.linear.gather [hbm4b:s3+s9], $0x80, $0x38;
	[tilespmem:$0x10300] =	vst v63  }
0x20: {  	_ =	swait.ge [sflag:s19], $0x80  }
0x21: {  	[sflag:s19] =	ssyncset.done $0x0  }
0x22: {  	[sflag:s19] =	ssyncadd.s32 $0xFFFFFF80  }
0x23: {  	v3 =	vld [tilespmem:$0x10280]  }
0x24: {  	v4 =	vld [tilespmem:$0x10290];
	_ =	sdelay $0x3  }
0x25: {  	(v2sf) =	vpush v3, $0x0  }
0x26: {  	(v2sf) =	vpush v4, $0x0;
	_ =	sdelay $0xa  }
.Ltmp2:
0x27: {  	_ = 	snop;
	(pc) =	sbr.rel .LBB2_2-.Ltmp2, $3  }
0x28: {  	_ =	sdelay $0x1  }
0x29: {  	s31 =	rddreg [dreg:$0xf];
	s29 =	spop (v2sf)  }
0x2a: {  	s7 =	simm.s32 $0x0;
	s3 =	rddreg [dreg:$0xe];
	s30 =	spop (v2sf)  }
.LBB2_5:
0x2b: {  	_ =	swait.ge [sflag:s25], $0x4000  }
0x2c: {  	[sflag:s25] =	ssyncset.done $0x0  }
0x2d: {  	[sflag:s25] =	ssyncadd.s32 $0xFFFFC000  }
0x2e: {  	_ =	swait.ge [sflag:s28], $0x4000  }
0x2f: {  	[sflag:s28] =	ssyncset.done $0x0  }
0x30: {  	s18 =	sadd.s32 s7, s13;
	[sflag:s28] =	ssyncadd.s32 $0xFFFFC000  }
0x31: {  	[hbm4b:s18+s9] =	stream.linear.scatter [tilespmem:s26], [sflag:$0x7], $0x4000, $0x38;
	[tilespmem:$0x10300] =	vst v63  }
0x32: {  	_ =	swait.ge [sflag:s20], $0x4000  }
0x33: {  	[sflag:s20] =	ssyncset.done $0x0  }
0x34: {  	s11 =	sadd.s32 s7, s12;
	[sflag:s20] =	ssyncadd.s32 $0xFFFFC000  }
0x35: {  	[hbm4b:s11+s9] =	stream.linear.scatter [tilespmem:s10], [sflag:$0x6], $0x4000, $0x38;
	[tilespmem:$0x10300] =	vst v63  }
0x36: {  	_ =	swait.ge [sflag:s19], $0x4000  }
0x37: {  	[sflag:s19] =	ssyncset.done $0x0  }
0x38: {  	[sflag:s19] =	ssyncadd.s32 $0xFFFFC000  }
.LBB2_6:
0x39: {  	s7 =	sadd.s32 $0x10000, s7  }
0x3a: {  	p0 =	sne.s32 s7, $0x80000  }
.Ltmp3:
0x3b: {  	_ = 	snop;
	(pc) =	sbr.rel @!p0 .LBB2_7-.Ltmp3, $2  }
0x3c: {  	_ =	sdelay $0x2  }
0x3d: {  	s3 =	sadd.s32 $0x800, s3;
	s31 =	sadd.s32 $0x100, s31  }
.LBB2_2:
0x3e: {  	p0 =	sle.s32 s3, s29  }
.Ltmp4:
0x3f: {  	_ = 	snop;
	(pc) =	sbr.rel @p0 .LBB2_6-.Ltmp4, $1  }
0x40: {  	_ =	sdelay $0x3  }
0x41: {  	[tilespmem:s9], [sflag:$0x7] =	stream.linear.gather [hbm4b:s31+s9], $0x40, $0x38;
	[tilespmem:$0x10300] =	vst v63  }
0x42: {  	_ =	swait.ge [sflag:s20], $0x40  }
0x43: {  	[sflag:s20] =	ssyncset.done $0x0  }
0x44: {  	[sflag:s20] =	ssyncadd.s32 $0xFFFFFFC0  }
0x45: {  	s11 =	simm.s32 $0x80;
	s18 =	rddreg [dreg:$0x1]  }
0x46: {  	[tilespmem:s11], [sflag:$0x1] =	stream.indirect.gather [hbm4b:s18+s21], $0x1, s9, s21, $0xb8;
	[tilespmem:$0x10300] =	vst v63  }
0x47: {  	s18 =	rddreg [dreg:$0x4];
	s11 =	simm.s32 $0x200  }
0x48: {  	[tilespmem:s11], [sflag:$0x2] =	stream.indirect.gather [hbm4b:s18+s21], $0x1, s9, s21, $0xb8;
	[tilespmem:$0x10300] =	vst v63  }
0x49: {  	_ =	swait.ge [sflag:s24], $0x40  }
0x4a: {  	[sflag:s24] =	ssyncset.done $0x0  }
0x4b: {  	[sflag:s24] =	ssyncadd.s32 $0xFFFFFFC0  }
0x4c: {  	_ =	swait.ge [sflag:s25], $0x40  }
0x4d: {  	[sflag:s25] =	ssyncset.done $0x0  }
0x4e: {  	[sflag:s25] =	ssyncadd.s32 $0xFFFFFFC0  }
0x4f: {  	v3 =	vld [tilespmem:$0x80];
	_ =	sdelay $0x4  }
0x50: {  	v4 =	vshll.u32 v3, $0x1  }
0x51: {  	v3 =	vand.u32 $0x7, v3;
	v4 =	vand.u32 $0xFFFFFFF0, v4  }
0x52: {  	v3 =	vor.u32 v3, v4  }
0x53: {  	v4 =	vperm.xlane v3, v0;
	_ =	sdelay $0x1  }
0x54: {  	v3 =	vperm.xlane v3, v2;
	v4 =	vadd.s32 v1, v4;
	_ =	sdelay $0x1  }
0x55: {  	v3 =	vadd.s32 v1, v3;
	_ =	sdelay $0x2  }
0x56: {  	[tilespmem:s26], [sflag:$0x2] =	stream.indirect_vreg.gather [hbm4b:s5+s9], $0x80, v4, vm0, $0xb8;
	[tilespmem:$0x10300] =	vst v63  }
0x57: {  	s18 =	simm.s32 $0xA80  }
0x58: {  	[tilespmem:s18], [sflag:$0x2] =	stream.indirect_vreg.gather [hbm4b:s5+s9], $0x80, v3, vm0, $0xb8;
	[tilespmem:$0x10300] =	vst v63  }
0x59: {  	v3 =	vld [tilespmem:$0x90];
	_ =	sdelay $0x4  }
0x5a: {  	v57 =	vshll.u32 v3, $0x1  }
0x5b: {  	v3 =	vand.u32 $0x7, v3;
	v4 =	vand.u32 $0xFFFFFFF0, v57  }
0x5c: {  	v3 =	vor.u32 v3, v4  }
0x5d: {  	v4 =	vperm.xlane v3, v0;
	_ =	sdelay $0x1  }
0x5e: {  	v3 =	vperm.xlane v3, v2;
	v4 =	vadd.s32 v1, v4;
	_ =	sdelay $0x1  }
0x5f: {  	v3 =	vadd.s32 v1, v3;
	_ =	sdelay $0x1  }
0x60: {  	s18 =	simm.s32 $0x1280  }
0x61: {  	[tilespmem:s18], [sflag:$0x2] =	stream.indirect_vreg.gather [hbm4b:s5+s9], $0x80, v4, vm0, $0xb8;
	[tilespmem:$0x10300] =	vst v63  }
0x62: {  	s18 =	simm.s32 $0x1A80  }
0x63: {  	[tilespmem:s18], [sflag:$0x2] =	stream.indirect_vreg.gather [hbm4b:s5+s9], $0x80, v3, vm0, $0xb8;
	[tilespmem:$0x10300] =	vst v63  }
0x64: {  	v3 =	vld [tilespmem:$0xA0];
	_ =	sdelay $0x4  }
0x65: {  	v58 =	vshll.u32 v3, $0x1  }
0x66: {  	v3 =	vand.u32 $0x7, v3;
	v4 =	vand.u32 $0xFFFFFFF0, v58  }
0x67: {  	v3 =	vor.u32 v3, v4  }
0x68: {  	v4 =	vperm.xlane v3, v0;
	_ =	sdelay $0x1  }
0x69: {  	v3 =	vperm.xlane v3, v2;
	v4 =	vadd.s32 v1, v4;
	_ =	sdelay $0x1  }
0x6a: {  	v3 =	vadd.s32 v1, v3;
	_ =	sdelay $0x1  }
0x6b: {  	s18 =	simm.s32 $0x2280  }
0x6c: {  	[tilespmem:s18], [sflag:$0x2] =	stream.indirect_vreg.gather [hbm4b:s5+s9], $0x80, v4, vm0, $0xb8;
	[tilespmem:$0x10300] =	vst v63  }
0x6d: {  	s18 =	simm.s32 $0x2A80  }
0x6e: {  	[tilespmem:s18], [sflag:$0x2] =	stream.indirect_vreg.gather [hbm4b:s5+s9], $0x80, v3, vm0, $0xb8;
	[tilespmem:$0x10300] =	vst v63  }
0x6f: {  	v3 =	vld [tilespmem:$0xB0];
	_ =	sdelay $0x4  }
0x70: {  	v59 =	vshll.u32 v3, $0x1  }
0x71: {  	v3 =	vand.u32 $0x7, v3;
	v4 =	vand.u32 $0xFFFFFFF0, v59  }
0x72: {  	v3 =	vor.u32 v3, v4  }
0x73: {  	v4 =	vperm.xlane v3, v0;
	_ =	sdelay $0x1  }
0x74: {  	v3 =	vperm.xlane v3, v2;
	v4 =	vadd.s32 v1, v4;
	_ =	sdelay $0x1  }
0x75: {  	v3 =	vadd.s32 v1, v3;
	_ =	sdelay $0x1  }
0x76: {  	s18 =	simm.s32 $0x3280  }
0x77: {  	[tilespmem:s18], [sflag:$0x2] =	stream.indirect_vreg.gather [hbm4b:s5+s9], $0x80, v4, vm0, $0xb8;
	[tilespmem:$0x10300] =	vst v63  }
0x78: {  	s18 =	simm.s32 $0x3A80  }
0x79: {  	[tilespmem:s18], [sflag:$0x2] =	stream.indirect_vreg.gather [hbm4b:s5+s9], $0x80, v3, vm0, $0xb8;
	[tilespmem:$0x10300] =	vst v63  }
0x7a: {  	v3 =	vld [tilespmem:$0x200];
	_ =	sdelay $0x4  }
0x7b: {  	v60 =	vshll.u32 v3, $0x1  }
0x7c: {  	v3 =	vand.u32 $0x7, v3;
	v4 =	vand.u32 $0xFFFFFFF0, v60  }
0x7d: {  	v3 =	vor.u32 v3, v4  }
0x7e: {  	v4 =	vperm.xlane v3, v0;
	_ =	sdelay $0x1  }
0x7f: {  	v3 =	vperm.xlane v3, v2;
	v4 =	vadd.s32 v1, v4;
	_ =	sdelay $0x1  }
0x80: {  	v3 =	vadd.s32 v1, v3;
	_ =	sdelay $0x2  }
0x81: {  	[tilespmem:s10], [sflag:$0x5] =	stream.indirect_vreg.gather [hbm4b:s8+s9], $0x80, v4, vm0, $0xb8;
	[tilespmem:$0x10300] =	vst v63  }
0x82: {  	s18 =	simm.s32 $0xCA80  }
0x83: {  	[tilespmem:s18], [sflag:$0x5] =	stream.indirect_vreg.gather [hbm4b:s8+s9], $0x80, v3, vm0, $0xb8;
	[tilespmem:$0x10300] =	vst v63  }
0x84: {  	v3 =	vld [tilespmem:$0x210];
	_ =	sdelay $0x4  }
0x85: {  	v61 =	vshll.u32 v3, $0x1  }
0x86: {  	v3 =	vand.u32 $0x7, v3;
	v4 =	vand.u32 $0xFFFFFFF0, v61  }
0x87: {  	v3 =	vor.u32 v3, v4  }
0x88: {  	v4 =	vperm.xlane v3, v0;
	_ =	sdelay $0x1  }
0x89: {  	v3 =	vperm.xlane v3, v2;
	v4 =	vadd.s32 v1, v4;
	_ =	sdelay $0x1  }
0x8a: {  	v3 =	vadd.s32 v1, v3;
	_ =	sdelay $0x2  }
0x8b: {  	[tilespmem:s16], [sflag:$0x5] =	stream.indirect_vreg.gather [hbm4b:s8+s9], $0x80, v4, vm0, $0xb8;
	[tilespmem:$0x10300] =	vst v63  }
0x8c: {  	_ = 	snop  }
0x8d: {  	[tilespmem:s17], [sflag:$0x5] =	stream.indirect_vreg.gather [hbm4b:s8+s9], $0x80, v3, vm0, $0xb8;
	[tilespmem:$0x10300] =	vst v63  }
0x8e: {  	v3 =	vld [tilespmem:$0x220];
	_ =	sdelay $0x4  }
0x8f: {  	v62 =	vshll.u32 v3, $0x1  }
0x90: {  	v3 =	vand.u32 $0x7, v3;
	v4 =	vand.u32 $0xFFFFFFF0, v62  }
0x91: {  	v3 =	vor.u32 v3, v4  }
0x92: {  	v4 =	vperm.xlane v3, v0;
	_ =	sdelay $0x1  }
0x93: {  	v3 =	vperm.xlane v3, v2;
	v4 =	vadd.s32 v1, v4;
	_ =	sdelay $0x1  }
0x94: {  	v3 =	vadd.s32 v1, v3;
	_ =	sdelay $0x2  }
0x95: {  	[tilespmem:s1], [sflag:$0x5] =	stream.indirect_vreg.gather [hbm4b:s8+s9], $0x80, v4, vm0, $0xb8;
	[tilespmem:$0x10300] =	vst v63  }
0x96: {  	_ = 	snop  }
0x97: {  	[tilespmem:s2], [sflag:$0x5] =	stream.indirect_vreg.gather [hbm4b:s8+s9], $0x80, v3, vm0, $0xb8;
	[tilespmem:$0x10300] =	vst v63  }
0x98: {  	v3 =	vld [tilespmem:$0x230];
	_ =	sdelay $0x4  }
0x99: {  	v63 =	vshll.u32 v3, $0x1  }
0x9a: {  	v3 =	vand.u32 $0x7, v3;
	v4 =	vand.u32 $0xFFFFFFF0, v63  }
0x9b: {  	v3 =	vor.u32 v3, v4  }
0x9c: {  	v4 =	vperm.xlane v3, v0;
	_ =	sdelay $0x1  }
0x9d: {  	v3 =	vperm.xlane v3, v2;
	v4 =	vadd.s32 v1, v4  }
0x9e: {  	s11 =	sadd.s32 $0xFFFFFFC0, s3  }
0x9f: {  	p0 =	sge.s32 s11, s30;
	v3 =	vadd.s32 v1, v3  }
.Ltmp5:
0xa0: {  	_ = 	snop;
	(pc) =	sbr.rel @p0 .LBB2_5-.Ltmp5, $4  }
0xa1: {  	_ = 	snop  }
0xa2: {  	[tilespmem:s0], [sflag:$0x5] =	stream.indirect_vreg.gather [hbm4b:s8+s9], $0x80, v4, vm0, $0xb8;
	[tilespmem:$0x10300] =	vst v63  }
0xa3: {  	_ = 	snop  }
0xa4: {  	[tilespmem:s4], [sflag:$0x5] =	stream.indirect_vreg.gather [hbm4b:s8+s9], $0x80, v3, vm0, $0xb8;
	[tilespmem:$0x10300] =	vst v63  }
0xa5: {  	s18 =	rddreg [dreg:$0x2];
	s11 =	simm.s32 $0x100  }
0xa6: {  	[tilespmem:s11], [sflag:$0x3] =	stream.indirect.gather [hbm4b:s18+s21], $0x1, s9, s21, $0xb8;
	[tilespmem:$0x10300] =	vst v63  }
0xa7: {  	s18 =	rddreg [dreg:$0x3];
	s11 =	simm.s32 $0x180  }
0xa8: {  	[tilespmem:s11], [sflag:$0x4] =	stream.indirect.gather [hbm4b:s18+s21], $0x1, s9, s21, $0xb8;
	[tilespmem:$0x10300] =	vst v63  }
0xa9: {  	_ =	swait.ge [sflag:s14], $0x40  }
0xaa: {  	[sflag:s14] =	ssyncset.done $0x0  }
0xab: {  	[sflag:s14] =	ssyncadd.s32 $0xFFFFFFC0  }
0xac: {  	_ =	swait.ge [sflag:s15], $0x40  }
0xad: {  	[sflag:s15] =	ssyncset.done $0x0  }
0xae: {  	[sflag:s15] =	ssyncadd.s32 $0xFFFFFFC0  }
0xaf: {  	v3 =	vld [tilespmem:$0x100];
	_ =	sdelay $0x4  }
0xb0: {  	v4 =	vshll.u32 v3, $0x1  }
0xb1: {  	v3 =	vand.u32 $0x7, v3;
	v4 =	vand.u32 $0xFFFFFFF0, v4  }
0xb2: {  	v3 =	vor.u32 v3, v4  }
0xb3: {  	v4 =	vperm.xlane v3, v0;
	_ =	sdelay $0x1  }
0xb4: {  	v3 =	vperm.xlane v3, v2;
	v4 =	vadd.s32 v1, v4;
	_ =	sdelay $0x1  }
0xb5: {  	v3 =	vadd.s32 v1, v3;
	_ =	sdelay $0x2  }
0xb6: {  	[tilespmem:s22], [sflag:$0x3] =	stream.indirect_vreg.gather [hbm4b:s6+s9], $0x80, v4, vm0, $0xb8;
	[tilespmem:$0x10300] =	vst v63  }
0xb7: {  	s18 =	simm.s32 $0x4A80  }
0xb8: {  	[tilespmem:s18], [sflag:$0x3] =	stream.indirect_vreg.gather [hbm4b:s6+s9], $0x80, v3, vm0, $0xb8;
	[tilespmem:$0x10300] =	vst v63  }
0xb9: {  	v3 =	vld [tilespmem:$0x110];
	_ =	sdelay $0x4  }
0xba: {  	v57 =	vshll.u32 v3, $0x1  }
0xbb: {  	v3 =	vand.u32 $0x7, v3;
	v4 =	vand.u32 $0xFFFFFFF0, v57  }
0xbc: {  	v3 =	vor.u32 v3, v4  }
0xbd: {  	v4 =	vperm.xlane v3, v0;
	_ =	sdelay $0x1  }
0xbe: {  	v3 =	vperm.xlane v3, v2;
	v4 =	vadd.s32 v1, v4;
	_ =	sdelay $0x1  }
0xbf: {  	v3 =	vadd.s32 v1, v3;
	_ =	sdelay $0x1  }
0xc0: {  	s18 =	simm.s32 $0x5280  }
0xc1: {  	[tilespmem:s18], [sflag:$0x3] =	stream.indirect_vreg.gather [hbm4b:s6+s9], $0x80, v4, vm0, $0xb8;
	[tilespmem:$0x10300] =	vst v63  }
0xc2: {  	s18 =	simm.s32 $0x5A80  }
0xc3: {  	[tilespmem:s18], [sflag:$0x3] =	stream.indirect_vreg.gather [hbm4b:s6+s9], $0x80, v3, vm0, $0xb8;
	[tilespmem:$0x10300] =	vst v63  }
0xc4: {  	v3 =	vld [tilespmem:$0x120];
	_ =	sdelay $0x4  }
0xc5: {  	v58 =	vshll.u32 v3, $0x1  }
0xc6: {  	v3 =	vand.u32 $0x7, v3;
	v4 =	vand.u32 $0xFFFFFFF0, v58  }
0xc7: {  	v3 =	vor.u32 v3, v4  }
0xc8: {  	v4 =	vperm.xlane v3, v0;
	_ =	sdelay $0x1  }
0xc9: {  	v3 =	vperm.xlane v3, v2;
	v4 =	vadd.s32 v1, v4;
	_ =	sdelay $0x1  }
0xca: {  	v3 =	vadd.s32 v1, v3;
	_ =	sdelay $0x1  }
0xcb: {  	s18 =	simm.s32 $0x6280  }
0xcc: {  	[tilespmem:s18], [sflag:$0x3] =	stream.indirect_vreg.gather [hbm4b:s6+s9], $0x80, v4, vm0, $0xb8;
	[tilespmem:$0x10300] =	vst v63  }
0xcd: {  	s18 =	simm.s32 $0x6A80  }
0xce: {  	[tilespmem:s18], [sflag:$0x3] =	stream.indirect_vreg.gather [hbm4b:s6+s9], $0x80, v3, vm0, $0xb8;
	[tilespmem:$0x10300] =	vst v63  }
0xcf: {  	v3 =	vld [tilespmem:$0x130];
	_ =	sdelay $0x4  }
0xd0: {  	v59 =	vshll.u32 v3, $0x1  }
0xd1: {  	v3 =	vand.u32 $0x7, v3;
	v4 =	vand.u32 $0xFFFFFFF0, v59  }
0xd2: {  	v3 =	vor.u32 v3, v4  }
0xd3: {  	v4 =	vperm.xlane v3, v0;
	_ =	sdelay $0x1  }
0xd4: {  	v3 =	vperm.xlane v3, v2;
	v4 =	vadd.s32 v1, v4;
	_ =	sdelay $0x1  }
0xd5: {  	v3 =	vadd.s32 v1, v3;
	_ =	sdelay $0x1  }
0xd6: {  	s18 =	simm.s32 $0x7280  }
0xd7: {  	[tilespmem:s18], [sflag:$0x3] =	stream.indirect_vreg.gather [hbm4b:s6+s9], $0x80, v4, vm0, $0xb8;
	[tilespmem:$0x10300] =	vst v63  }
0xd8: {  	s18 =	simm.s32 $0x7A80  }
0xd9: {  	[tilespmem:s18], [sflag:$0x3] =	stream.indirect_vreg.gather [hbm4b:s6+s9], $0x80, v3, vm0, $0xb8;
	[tilespmem:$0x10300] =	vst v63  }
0xda: {  	v3 =	vld [tilespmem:$0x180];
	_ =	sdelay $0x4  }
0xdb: {  	v60 =	vshll.u32 v3, $0x1  }
0xdc: {  	v3 =	vand.u32 $0x7, v3;
	v4 =	vand.u32 $0xFFFFFFF0, v60  }
0xdd: {  	v3 =	vor.u32 v3, v4  }
0xde: {  	v4 =	vperm.xlane v3, v0;
	_ =	sdelay $0x1  }
0xdf: {  	v3 =	vperm.xlane v3, v2;
	v4 =	vadd.s32 v1, v4;
	_ =	sdelay $0x1  }
0xe0: {  	v3 =	vadd.s32 v1, v3;
	_ =	sdelay $0x2  }
0xe1: {  	[tilespmem:s23], [sflag:$0x4] =	stream.indirect_vreg.gather [hbm4b:s6+s9], $0x80, v4, vm0, $0xb8;
	[tilespmem:$0x10300] =	vst v63  }
0xe2: {  	s18 =	simm.s32 $0x8A80  }
0xe3: {  	[tilespmem:s18], [sflag:$0x4] =	stream.indirect_vreg.gather [hbm4b:s6+s9], $0x80, v3, vm0, $0xb8;
	[tilespmem:$0x10300] =	vst v63  }
0xe4: {  	v3 =	vld [tilespmem:$0x190];
	_ =	sdelay $0x4  }
0xe5: {  	v61 =	vshll.u32 v3, $0x1  }
0xe6: {  	v3 =	vand.u32 $0x7, v3;
	v4 =	vand.u32 $0xFFFFFFF0, v61  }
0xe7: {  	v3 =	vor.u32 v3, v4  }
0xe8: {  	v4 =	vperm.xlane v3, v0;
	_ =	sdelay $0x1  }
0xe9: {  	v3 =	vperm.xlane v3, v2;
	v4 =	vadd.s32 v1, v4;
	_ =	sdelay $0x1  }
0xea: {  	v3 =	vadd.s32 v1, v3;
	_ =	sdelay $0x1  }
0xeb: {  	s18 =	simm.s32 $0x9280  }
0xec: {  	[tilespmem:s18], [sflag:$0x4] =	stream.indirect_vreg.gather [hbm4b:s6+s9], $0x80, v4, vm0, $0xb8;
	[tilespmem:$0x10300] =	vst v63  }
0xed: {  	s18 =	simm.s32 $0x9A80  }
0xee: {  	[tilespmem:s18], [sflag:$0x4] =	stream.indirect_vreg.gather [hbm4b:s6+s9], $0x80, v3, vm0, $0xb8;
	[tilespmem:$0x10300] =	vst v63  }
0xef: {  	v3 =	vld [tilespmem:$0x1A0];
	_ =	sdelay $0x4  }
0xf0: {  	v62 =	vshll.u32 v3, $0x1  }
0xf1: {  	v3 =	vand.u32 $0x7, v3;
	v4 =	vand.u32 $0xFFFFFFF0, v62  }
0xf2: {  	v3 =	vor.u32 v3, v4  }
0xf3: {  	v4 =	vperm.xlane v3, v0;
	_ =	sdelay $0x1  }
0xf4: {  	v3 =	vperm.xlane v3, v2;
	v4 =	vadd.s32 v1, v4;
	_ =	sdelay $0x1  }
0xf5: {  	v3 =	vadd.s32 v1, v3;
	_ =	sdelay $0x1  }
0xf6: {  	s18 =	simm.s32 $0xA280  }
0xf7: {  	[tilespmem:s18], [sflag:$0x4] =	stream.indirect_vreg.gather [hbm4b:s6+s9], $0x80, v4, vm0, $0xb8;
	[tilespmem:$0x10300] =	vst v63  }
0xf8: {  	s18 =	simm.s32 $0xAA80  }
0xf9: {  	[tilespmem:s18], [sflag:$0x4] =	stream.indirect_vreg.gather [hbm4b:s6+s9], $0x80, v3, vm0, $0xb8;
	[tilespmem:$0x10300] =	vst v63  }
0xfa: {  	v3 =	vld [tilespmem:$0x1B0];
	_ =	sdelay $0x4  }
0xfb: {  	v63 =	vshll.u32 v3, $0x1  }
0xfc: {  	v3 =	vand.u32 $0x7, v3;
	v4 =	vand.u32 $0xFFFFFFF0, v63  }
0xfd: {  	v3 =	vor.u32 v3, v4  }
0xfe: {  	v4 =	vperm.xlane v3, v0;
	_ =	sdelay $0x1  }
0xff: {  	v3 =	vperm.xlane v3, v2;
	v4 =	vadd.s32 v1, v4;
	_ =	sdelay $0x1  }
0x100: {  	v3 =	vadd.s32 v1, v3;
	_ =	sdelay $0x1  }
0x101: {  	s18 =	simm.s32 $0xB280  }
0x102: {  	[tilespmem:s18], [sflag:$0x4] =	stream.indirect_vreg.gather [hbm4b:s6+s9], $0x80, v4, vm0, $0xb8;
	[tilespmem:$0x10300] =	vst v63  }
0x103: {  	s18 =	simm.s32 $0xBA80  }
0x104: {  	[tilespmem:s18], [sflag:$0x4] =	stream.indirect_vreg.gather [hbm4b:s6+s9], $0x80, v3, vm0, $0xb8;
	[tilespmem:$0x10300] =	vst v63  }
0x105: {  	_ =	swait.ge [sflag:s14], $0x4000  }
0x106: {  	[sflag:s14] =	ssyncset.done $0x0  }
0x107: {  	[sflag:s14] =	ssyncadd.s32 $0xFFFFC000  }
0x108: {  	_ =	swait.ge [sflag:s15], $0x4000  }
0x109: {  	[sflag:s15] =	ssyncset.done $0x0;
	s11 =	rddreg [dreg:$0xc]  }
0x10a: {  	[sflag:s15] =	ssyncadd.s32 $0xFFFFC000;
	s18 =	sadd.s32 s7, s11  }
0x10b: {  	[hbm4b:s18+s9] =	stream.linear.scatter [tilespmem:s22], [sflag:$0x7], $0x4000, $0x38;
	[tilespmem:$0x10300] =	vst v63  }
0x10c: {  	_ =	swait.ge [sflag:s20], $0x4000  }
0x10d: {  	[sflag:s20] =	ssyncset.done $0x0;
	s11 =	rddreg [dreg:$0xd]  }
.Ltmp6:
0x10e: {  	[sflag:s20] =	ssyncadd.s32 $0xFFFFC000;
	s18 =	sadd.s32 s7, s11;
	(pc) =	sbr.rel .LBB2_5-.Ltmp6, $4  }
0x10f: {  	[hbm4b:s18+s9] =	stream.linear.scatter [tilespmem:s23], [sflag:$0x7], $0x4000, $0x38;
	[tilespmem:$0x10300] =	vst v63  }
0x110: {  	_ =	swait.ge [sflag:s20], $0x4000  }
0x111: {  	[sflag:s20] =	ssyncset.done $0x0  }
0x112: {  	[sflag:s20] =	ssyncadd.s32 $0xFFFFC000  }
.LBB2_8:
0x113: {  	_ =	sfence.sel $0x180000  }
0x114: {  	[bflag:$0x0] =	sbarrier.arrive $0xFFFF  }
0x115: {  	_ =	strace $0x9000004A  }
0x116: {  	s0 =	stileid.u32;
	[bflag:$0x2] =	sbarrier.arrive $0xFFFF  }
0x117: {  	p0 =	sne.s32 s0, $0x0;
	s0 =	rddreg [dreg:$0x9]  }
0x118: {  	s0 =	sadd.s32 @!p0 $0x100000, s0  }
0x119: {  	[sflag:s0] =	ssyncadd.tile.s32 @!p0 $0x1;
	_ =	shalt  }
.Lfunc_end2:
_tile_overlayer_lowered:
.L_overlay_start_2:
0x11a: {  	(tag) =	ssettag $0x2  }
0x11b: {  	s0 =	rddreg [dreg:$0x0];
	s2 =	stileid.u32  }
0x11c: {  	s1 =	rddreg [dreg:$0x1];
	p0 =	sne.s32 s2, $0x0  }
0x11d: {  	s3 =	rddreg [dreg:$0x2];
	[bflag:$0x3] =	sbarrier.arrive $0xFFFF;
	s2 =	simm.s32 @!p0 $0x1C06  }
0x11e: {  	[timem:s3], [sflag:s2] =	dma.local @!p0 [hbm:s0], s1  }
0x11f: {  	s0 =	simm.s32 @!p0 $0x6  }
0x120: {  	_ =	swait.ge @!p0 [sflag:s0], s1  }
0x121: {  	s1 =	ssub.s32 @!p0 $0x0, s1;
	[sflag:s0] =	ssyncset.done @!p0 $0x0  }
0x122: {  	[sflag:s0] =	ssyncadd.s32 @!p0 s1  }
0x123: {  	[bflag:$0x3] =	sbarrier.arrive $0xFFFF  }
0x124: {  	_ =	shalt  }

// kernel: kernel.8.cloned.1.call-start
scs
__scs_entry_jumppad:
0x0: {  	(pc) =	sbr.rel $0x88, $3  }
0x1: {  	(tag) =	ssettag $0x0;
	lr =	simm.s32 $0x1  }
0x2: {  	[smem:$0x3F8C] =	sst lr;
	_ =	strace $0xD0000000  }
0x3: {  	_ = 	snop  }
0x4: {  	_ = 	snop  }
0x5: {  	_ = 	snop  }
0x6: {  	_ = 	snop  }
0x7: {  	_ = 	snop  }
__scs_overlays_trampoline_lowered:
0x8: {  	[smem:$0x3F9B] =	sst s0  }
0x9: {  	[smem:$0x3F9C] =	sst s1  }
0xa: {  	[smem:$0x3F9D] =	sst s2  }
0xb: {  	[smem:$0x3F9E] =	sst s3  }
0xc: {  	[smem:$0x3F9F] =	sst s4  }
0xd: {  	[smem:$0x3FA0] =	sst s5  }
0xe: {  	[smem:$0x3FA1] =	sst s6  }
0xf: {  	[smem:$0x3FA2] =	sst s7  }
0x10: {  	[smem:$0x3FA3] =	sst s8  }
0x11: {  	[smem:$0x3FA4] =	sst s9;
	s0 =	simm.s32 @!p0 $0x0  }
0x12: {  	s1 =	sld [smem:$0x3F8A];
	s0 =	simm.s32 @p0 $0x1  }
0x13: {  	[smem:$0x3FA5] =	sst s0;
	s0 =	simm.s32 @!p1 $0x0  }
0x14: {  	s2 =	sld [smem:$0x3F89];
	s0 =	simm.s32 @p1 $0x1  }
0x15: {  	[smem:$0x3FA6] =	sst s0;
	s0 =	simm.s32 @!p2 $0x0  }
0x16: {  	s3 =	sld [smem:$0x3FDB];
	s0 =	simm.s32 @p2 $0x1  }
0x17: {  	s4 =	simm.s32 $0x1BF5;
	[smem:$0x3FA8] =	sst s0  }
0x18: {  	s0 =	sld [smem:$0x3F8B];
	_ =	swait.ge [sflag:s4], $0x0  }
0x19: {  	s7 =	sld [smem:$0x3F8C]  }
0x1a: {  	s8 =	sadd.s32 $0xFFFFE003, lr  }
0x1b: {  	s9 =	sadd.s32 $0xFFFFFEF7, lr;
	s5 =	simm.s32 $0xFFFFFFFF;
	p2 =	slt.u32 s8, $0xFFFFF086  }
0x1c: {  	p1 =	slt.u32 s9, $0xF7A;
	s5 =	simm.s32 @!p2 $0x0  }
0x1d: {  	s5 =	simm.s32 @p1 $0x1;
	p0 =	seq.s32 s7, s2  }
0x1e: {  	s7 =	smul.u32 @!p0 $0xF7A, s2;
	p2 =	seq.s32 @!p0 s5, $0x0  }
0x1f: {  	s9 =	smul.u32 $0xF7A, s1;
	s8 =	simm.s32 @!p0 $0x1BF5;
	p2 =	por !p2, p0  }
0x20: {  	[sflag:s8] =	ssyncset.s32 @!p0 $0xFFFFF086;
	s6 =	sadd.s32 @!p0 s3, s7;
	s7 =	simm.s32 @!p0 $0x108  }
0x21: {  	s3 =	sadd.s32 s3, s9;
	s6 =	sadd.s32 @!p0 $0x88, s6;
	s7 =	simm.s32 @p2 $0x1082  }
0x22: {  	[simem:s7], [sflag:s8] =	dma.local @!p0 [hbm:s6], $0xF7A  }
0x23: {  	s9 =	sor.u32 $0xD0000000, s2;
	s6 =	simm.s32 $0x108;
	_ =	swait.ge @!p0 [sflag:s8], $0x0  }
0x24: {  	s3 =	sadd.s32 $0x88, s3;
	s6 =	simm.s32 @!p1 $0x1082;
	[sflag:s4] =	ssyncset.s32 $0xFFFFF086  }
0x25: {  	[simem:s6], [sflag:s4] =	dma.local [hbm:s3], $0xF7A  }
0x26: {  	[smem:$0x3F8C] =	sst s1;
	(tag) =	ssettag s2;
	_ =	strace s9  }
0x27: {  	s1 =	sld [smem:$0x3F9C]  }
0x28: {  	s2 =	sld [smem:$0x3F9D]  }
0x29: {  	s4 =	sld [smem:$0x3F9F]  }
0x2a: {  	p0 =	seq.s32 s5, $0x0;
	s5 =	sld [smem:$0x3FA0]  }
0x2b: {  	s6 =	sld [smem:$0x3FA1]  }
0x2c: {  	s7 =	sld [smem:$0x3FA2]  }
0x2d: {  	s3 =	simm.s32 $0x108;
	s8 =	sld [smem:$0x3FA3]  }
0x2e: {  	s3 =	simm.s32 @!p0 $0x1082;
	s9 =	sld [smem:$0x3FA4]  }
0x2f: {  	lr =	sadd.s32 s0, s3;
	s0 =	sld [smem:$0x3F9B]  }
0x30: {  	s3 =	sld [smem:$0x3F9E]  }
0x31: {  	[smem:$0x3FA7] =	sst s10  }
0x32: {  	s10 =	sld [smem:$0x3FA5];
	_ =	sdelay $0x3  }
0x33: {  	p0 =	seq.s32 s10, $0x1;
	s10 =	sld [smem:$0x3FA7];
	_ =	sdelay $0x3  }
0x34: {  	[smem:$0x3FA7] =	sst s10  }
0x35: {  	s10 =	sld [smem:$0x3FA6];
	_ =	sdelay $0x3  }
0x36: {  	p1 =	seq.s32 s10, $0x1;
	s10 =	sld [smem:$0x3FA7];
	_ =	sdelay $0x3  }
0x37: {  	[smem:$0x3FA7] =	sst s10  }
0x38: {  	s10 =	sld [smem:$0x3FA8]  }
0x39: {  	_ = 	snop;
	(pc) =	sbr.ind lr, $3  }
0x3a: {  	_ = 	snop  }
0x3b: {  	_ = 	snop  }
0x3c: {  	p2 =	seq.s32 s10, $0x1;
	s10 =	sld [smem:$0x3FA7]  }
0x3d: {  	_ =	shalt  }
0x3e: {  	_ =	shalt  }
0x3f: {  	_ =	shalt  }
0x40: {  	_ =	shalt  }
0x41: {  	_ =	shalt  }
0x42: {  	_ =	shalt  }
0x43: {  	_ =	shalt  }
0x44: {  	_ =	shalt  }
0x45: {  	_ =	shalt  }
0x46: {  	_ =	shalt  }
0x47: {  	_ =	shalt  }
0x48: {  	_ =	shalt  }
0x49: {  	_ =	shalt  }
0x4a: {  	_ =	shalt  }
0x4b: {  	_ =	shalt  }
0x4c: {  	_ =	shalt  }
0x4d: {  	_ =	shalt  }
0x4e: {  	_ =	shalt  }
0x4f: {  	_ =	shalt  }
0x50: {  	_ =	shalt  }
0x51: {  	_ =	shalt  }
0x52: {  	_ =	shalt  }
0x53: {  	_ =	shalt  }
0x54: {  	_ =	shalt  }
0x55: {  	_ =	shalt  }
0x56: {  	_ =	shalt  }
0x57: {  	_ =	shalt  }
0x58: {  	_ =	shalt  }
0x59: {  	_ =	shalt  }
0x5a: {  	_ =	shalt  }
0x5b: {  	_ =	shalt  }
0x5c: {  	_ =	shalt  }
0x5d: {  	_ =	shalt  }
0x5e: {  	_ =	shalt  }
0x5f: {  	_ =	shalt  }
0x60: {  	_ =	shalt  }
0x61: {  	_ =	shalt  }
0x62: {  	_ =	shalt  }
0x63: {  	_ =	shalt  }
0x64: {  	_ =	shalt  }
0x65: {  	_ =	shalt  }
0x66: {  	_ =	shalt  }
0x67: {  	_ =	shalt  }
0x68: {  	_ =	shalt  }
0x69: {  	_ =	shalt  }
0x6a: {  	_ =	shalt  }
0x6b: {  	_ =	shalt  }
0x6c: {  	_ =	shalt  }
0x6d: {  	_ =	shalt  }
0x6e: {  	_ =	shalt  }
0x6f: {  	_ =	shalt  }
0x70: {  	_ =	shalt  }
0x71: {  	_ =	shalt  }
0x72: {  	_ =	shalt  }
0x73: {  	_ =	shalt  }
0x74: {  	_ =	shalt  }
0x75: {  	_ =	shalt  }
0x76: {  	_ =	shalt  }
0x77: {  	_ =	shalt  }
0x78: {  	_ =	shalt  }
0x79: {  	_ =	shalt  }
0x7a: {  	_ =	shalt  }
0x7b: {  	_ =	shalt  }
0x7c: {  	_ =	shalt  }
0x7d: {  	_ =	shalt  }
0x7e: {  	_ =	shalt  }
0x7f: {  	_ =	shalt  }
0x80: {  	_ =	shalt  }
0x81: {  	_ =	shalt  }
0x82: {  	_ =	shalt  }
0x83: {  	_ =	shalt  }
0x84: {  	_ =	shalt  }
0x85: {  	_ =	shalt  }
0x86: {  	_ =	shalt  }
0x87: {  	_ =	shalt  }
.Lfunc_end0:
.L_simem_size_0:
called_computation.2_lowered:
.L_overlay_start_0:
0x88: {  	s2 =	sld [smem:$0x3FD9]  }
0x89: {  	s3 =	sld [smem:$0x3FFE];
	_ =	sdelay $0x1  }
0x8a: {  	s1 =	srdreg.scid  }
0x8b: {  	s0 =	sand.u32 $0x1, s1  }
0x8c: {  	s17 =	sshll.u32 s0, $0xA;
	s2 =	sadd.s32 s3, s2  }
0x8d: {  	s2 =	sadd.s32 s2, s17  }
0x8e: {  	[smem:$0x3FB3] =	sst s2  }
0x8f: {  	_ = 	snop  }
0x90: {  	s2 =	sld [smem:$0x3FD0];
	(tm) =	ssettm $0x1  }
0x91: {  	s18 =	sld [smem:$0x3FFB];
	_ =	sdelay $0x3  }
0x92: {  	_ =	strace s18  }
0x93: {  	s3 =	sld [smem:$0x3FFC];
	_ =	sdelay $0x3  }
0x94: {  	_ =	strace s3  }
0x95: {  	s3 =	sld [smem:$0x3FFD];
	_ =	sdelay $0x3  }
0x96: {  	_ =	strace s3  }
0x97: {  	_ =	strace $0x8FFFFFFF  }
0x98: {  	s19 =	sld [smem:$0x3FDB];
	_ =	sdelay $0x1  }
0x99: {  	s4 =	simm.s32 $_scs_section_size  }
0x9a: {  	s5 =	simm.s32 $_size__tile_overlayer_lowered;
	s6 =	simm.s32 $_tile_overlayer_lowered  }
0x9b: {  	s22 =	simm.s32 $0x1BFF;
	s21 =	sshll.u32 s6, $0x1;
	s3 =	sadd.s32 s4, s19  }
0x9c: {  	s7 =	simm.s32 $0x0;
	s20 =	sshll.u32 s5, $0x1;
	s5 =	sadd.s32 s21, s3  }
0x9d: {  	[timem:s7], [sflag:s22] =	dma.local [hbm:s5], s20  }
0x9e: {  	_ =	swait.ge [sflag:s22], s20  }
0x9f: {  	s4 =	ssub.s32 $0x0, s20;
	[sflag:s22] =	ssyncset.done $0x0  }
0xa0: {  	[sflag:s22] =	ssyncadd.s32 s4;
	_ =	sdelay $0x1  }
0xa1: {  	s23 =	simm.s32 $0x1B8B  }
0xa2: {  	_ =	swait.ge [sflag:s23], $0x1  }
0xa3: {  	[sflag:s23] =	ssyncset.done $0x0  }
0xa4: {  	s25 =	simm.s32 $0x1B8E;
	s24 =	sld [smem:$0x3FFE];
	[sflag:s23] =	ssyncadd.s32 $0xFFFFFFFF  }
0xa5: {  	s26 =	simm.s32 $execute0_lowered;
	[smem:$0x3FD2] =	sst s25  }
0xa6: {  	s5 =	sshll.u32 s26, $0x1;
	_ =	strace $0x8000004C;
	[dreg:$0x1] =	wrdreg $0xFFFFFFFF  }
0xa7: {  	s28 =	simm.s32 $_size_execute0_lowered;
	s3 =	sadd.s32 s3, s5;
	[dreg:$0x0] =	wrdreg $0x0  }
0xa8: {  	s5 =	sshll.u32 s28, $0x1;
	[dreg:$0x2] =	wrdreg s3  }
0xa9: {  	[dreg:$0x3] =	wrdreg s5  }
0xaa: {  	[dreg:$0x4] =	wrdreg $0xC0  }
0xab: {  	_ =	task [dreg:s7], $0x5FFFF  }
0xac: {  	[dreg:$0x1] =	wrdreg $0xFFFFFFFF  }
0xad: {  	[dreg:$0x0] =	wrdreg $0x60  }
0xae: {  	[dreg:$0x2] =	wrdreg s24  }
0xaf: {  	[dreg:$0x3] =	wrdreg s2  }
0xb0: {  	[dreg:$0x4] =	wrdreg $0x9  }
0xb1: {  	_ =	task.clear_ibuf [dreg:s7], $0x5FFFF;
	_ =	strace $0x9000004C  }
0xb2: {  	s29 =	simm.s32 $0x9;
	_ =	strace $0x8000004E  }
0xb3: {  	_ =	swait.ge [sflag:s29], $0x1  }
0xb4: {  	[sflag:s29] =	ssyncadd.s32 $0xFFFFFFFF  }
0xb5: {  	_ =	strace $0x9000004E  }
0xb6: {  	_ =	sfence  }
0xb7: {  	s30 =	sld [smem:$0x0];
	_ =	sdelay $0x2  }
0xb8: {  	s31 =	sshll.u32 s1, $0xD;
	s1 =	sshrl.u32 s1, $0x2  }
0xb9: {  	s3 =	sand.u32 $0x4000, s31;
	s1 =	sadd.s32 s1, s30  }
0xba: {  	s0 =	sor.u32 s3, s0;
	s1 =	sshll.u32 s1, $0x11  }
0xbb: {  	s0 =	sor.u32 s1, s0  }
0xbc: {  	s0 =	sadd.s32 $0x8F2B, s0  }
0xbd: {  	[sflag:s0] =	ssyncadd.remote.s32 $0x1  }
0xbe: {  	_ =	sfence.sel $0xFFFF  }
0xbf: {  	[dreg:$0x0] =	wrdreg $0xFFFFFFFF;
	(pc) =	sbr.abs _section_cstart, $3  }
0xc0: {  	[dreg:$0x1] =	wrdreg $0xFFFFFFFF  }
0xc1: {  	_ =	task.clear_ibuf [dreg:s7], $0x2FFFF;
	_ =	strace $0x9FFFFFFF  }
0xc2: {  	(tm) =	ssettm $0x7FFFFFFF  }
0xc3: {  	_ =	shalt  }
tec
execute0_lowered:
.L_overlay_start_1:
0x0: {  	(tag) =	ssettag $0x1  }
0x1: {  	s1 =	srdreg.scid  }
0x2: {  	s0 =	stileid.u32;
	s6 =	sand.u32 $0x1, s1  }
0x3: {  	s4 =	rddreg [dreg:$0x0];
	s11 =	sshll.u32 s0, $0xA;
	s3 =	sshll.u32 s6, $0x9  }
0x4: {  	s2 =	rddreg [dreg:$0x1];
	s5 =	sor.u32 s3, s11;
	s3 =	simm.s32 $0x0  }
0x5: {  	s12 =	simm.s32 $0x900;
	[smem:$0x7FF] =	sst s3  }
0x6: {  	s13 =	simm.s32 $0x1100;
	_ =	strace $0x8000004D;
	[dreg:$0x5] =	wrdreg s12  }
0x7: {  	s14 =	simm.s32 $0x1900;
	[dreg:$0x6] =	wrdreg s13  }
0x8: {  	s16 =	simm.s32 $0x2100;
	[dreg:$0x7] =	wrdreg s14  }
0x9: {  	s17 =	simm.s32 $0x2900;
	s19 =	simm.s32 $0x3100;
	[dreg:$0x8] =	wrdreg s16  }
0xa: {  	s21 =	simm.s32 $0x3900;
	s22 =	simm.s32 $0x4100;
	[dreg:$0x9] =	wrdreg s17  }
0xb: {  	s23 =	simm.s32 $0x4900;
	s24 =	simm.s32 $0x5100;
	[dreg:$0xa] =	wrdreg s19  }
0xc: {  	s25 =	simm.s32 $0x5900;
	s26 =	simm.s32 $0x6100;
	[dreg:$0xb] =	wrdreg s21  }
0xd: {  	s30 =	simm.s32 $0x6900;
	s9 =	simm.s32 $0x7100;
	[dreg:$0xc] =	wrdreg s22  }
0xe: {  	s31 =	simm.s32 $0x7900;
	s10 =	simm.s32 $0x8100;
	[dreg:$0xd] =	wrdreg s23  }
0xf: {  	s28 =	simm.s32 $0x2;
	s29 =	simm.s32 $0x0;
	[dreg:$0xe] =	wrdreg s24  }
0x10: {  	s8 =	sadd.s32 $0x2600, s4;
	s15 =	sshll.u32 s0, $0x10;
	[dreg:$0xf] =	wrdreg s25  }
0x11: {  	s18 =	ssub.s32 $0x2, s6;
	s6 =	sshll.u32 s6, $0xF;
	[dreg:$0x10] =	wrdreg s26  }
0x12: {  	s20 =	sshrl.u32 s18, $0x1;
	s11 =	simm.s32 $0x8900;
	[dreg:$0x11] =	wrdreg s30  }
0x13: {  	s7 =	sor.u32 $0x40, s5;
	s5 =	sshrl.u32 s5, $0x3;
	[dreg:$0x12] =	wrdreg s9  }
0x14: {  	s7 =	sshrl.u32 s7, $0x3;
	s5 =	sadd.s32 s5, s8;
	[dreg:$0x13] =	wrdreg s31  }
0x15: {  	s9 =	simm.s32 $0x80;
	s12 =	simm.s32 $0x9100;
	s13 =	simm.s32 $0x9900  }
0x16: {  	s14 =	simm.s32 $0xA100;
	s16 =	simm.s32 $0xB100;
	s17 =	simm.s32 $0xB900  }
0x17: {  	s19 =	simm.s32 $0xC900;
	s21 =	simm.s32 $0xD900;
	s22 =	simm.s32 $0xE100  }
0x18: {  	s23 =	simm.s32 $0xE900;
	s24 =	simm.s32 $0xF100;
	s25 =	simm.s32 $0xF900  }
0x19: {  	s26 =	simm.s32 $0x1;
	s7 =	sadd.s32 s7, s8;
	[dreg:$0x4] =	wrdreg s5  }
0x1a: {  	s5 =	ssub.s32 s18, s20;
	s8 =	simm.s32 $0x100;
	s18 =	simm.s32 $0xC100  }
0x1b: {  	v2 =	vlaneseq.u32;
	s20 =	simm.s32 $0xD100;
	[dreg:$0x3] =	wrdreg s7;
	s7 =	sadd.s32 s15, s4  }
0x1c: {  	vm0 =	vmmov $0xffff;
	v1 =	vshrl.u32 v2, $0x3;
	s4 =	sadd.s32 $0x100, s2;
	s5 =	smax.u32 s5, $0x1;
	s6 =	sadd.s32 s6, s7  }
0x1d: {  	v0 =	vand.u32 $0x7, v2;
	v2 =	vor.u32 $0x8, v2;
	v1 =	vmul.u32 $0x8, v1;
	s15 =	simm.s32 $0xA900;
	s7 =	simm.s32 $0x3;
	s6 =	sadd.s32 $0x184000, s6  }
.LBB2_1:
0x1e: {  	s30 =	smov.u32 s6;
	s31 =	simm.s32 $0x0  }
.LBB2_2:
0x1f: {  	s1 =	rddreg [dreg:$0x4]  }
0x20: {  	s1 =	sadd.s32 s31, s1  }
0x21: {  	[tilespmem:s3], [sflag:$0x3] =	stream.linear.gather [hbm4b:s1+s3], $0x40, $0x38;
	[tilespmem:$0x10100] =	vst v63  }
0x22: {  	_ =	swait.ge [sflag:s7], $0x40  }
0x23: {  	[sflag:s7] =	ssyncset.done $0x0  }
0x24: {  	s0 =	sadd.s32 $0xFFFFF000, s30;
	[sflag:s7] =	ssyncadd.s32 $0xFFFFFFC0  }
0x25: {  	[tilespmem:s8], [sflag:$0x3] =	stream.linear.gather [hbm4b:s0+s3], $0x8000, $0x38;
	[tilespmem:$0x10100] =	vst v63  }
0x26: {  	_ =	swait.ge [sflag:s7], $0x8000  }
0x27: {  	[sflag:s7] =	ssyncset.done $0x0  }
0x28: {  	[sflag:s7] =	ssyncadd.s32 $0xFFFF8000  }
0x29: {  	v3 =	vld [tilespmem:$0x0];
	_ =	sdelay $0x4  }
0x2a: {  	v4 =	vshll.u32 v3, $0x2  }
0x2b: {  	v3 =	vand.u32 $0x7, v3;
	v4 =	vand.u32 $0xFFFFFFE0, v4  }
0x2c: {  	v3 =	vor.u32 v3, v4  }
0x2d: {  	v4 =	vperm.xlane v3, v0;
	_ =	sdelay $0x1  }
0x2e: {  	v4 =	vadd.s32 v1, v4;
	_ =	sdelay $0x1  }
0x2f: {  	v3 =	vperm.xlane v3, v2;
	_ =	sdelay $0x1  }
0x30: {  	v3 =	vadd.s32 v1, v3  }
0x31: {  	[hbm4b:s2+s3] =	stream.indirect_vreg.scatter [tilespmem:s8], [sflag:$0x1], $0x80, v4, vm0, $0xb8;
	[tilespmem:$0x10100] =	vst v63  }
0x32: {  	s1 =	rddreg [dreg:$0x5]  }
0x33: {  	[hbm4b:s4+s3] =	stream.indirect_vreg.scatter [tilespmem:s1], [sflag:$0x1], $0x80, v4, vm0, $0xb8;
	[tilespmem:$0x10100] =	vst v63  }
0x34: {  	s0 =	rddreg [dreg:$0x6]  }
0x35: {  	[hbm4b:s2+s3] =	stream.indirect_vreg.scatter [tilespmem:s0], [sflag:$0x1], $0x80, v3, vm0, $0xb8;
	[tilespmem:$0x10100] =	vst v63  }
0x36: {  	s1 =	rddreg [dreg:$0x7]  }
0x37: {  	[hbm4b:s4+s3] =	stream.indirect_vreg.scatter [tilespmem:s1], [sflag:$0x1], $0x80, v3, vm0, $0xb8;
	[tilespmem:$0x10100] =	vst v63  }
0x38: {  	v3 =	vld [tilespmem:$0x10];
	_ =	sdelay $0x4  }
0x39: {  	v57 =	vshll.u32 v3, $0x2  }
0x3a: {  	v3 =	vand.u32 $0x7, v3;
	v4 =	vand.u32 $0xFFFFFFE0, v57  }
0x3b: {  	v3 =	vor.u32 v3, v4  }
0x3c: {  	v4 =	vperm.xlane v3, v0;
	_ =	sdelay $0x1  }
0x3d: {  	v4 =	vadd.s32 v1, v4;
	_ =	sdelay $0x1  }
0x3e: {  	v3 =	vperm.xlane v3, v2;
	_ =	sdelay $0x1  }
0x3f: {  	s0 =	rddreg [dreg:$0x8];
	v3 =	vadd.s32 v1, v3  }
0x40: {  	[hbm4b:s2+s3] =	stream.indirect_vreg.scatter [tilespmem:s0], [sflag:$0x1], $0x80, v4, vm0, $0xb8;
	[tilespmem:$0x10100] =	vst v63  }
0x41: {  	s1 =	rddreg [dreg:$0x9]  }
0x42: {  	[hbm4b:s4+s3] =	stream.indirect_vreg.scatter [tilespmem:s1], [sflag:$0x1], $0x80, v4, vm0, $0xb8;
	[tilespmem:$0x10100] =	vst v63  }
0x43: {  	s0 =	rddreg [dreg:$0xa]  }
0x44: {  	[hbm4b:s2+s3] =	stream.indirect_vreg.scatter [tilespmem:s0], [sflag:$0x1], $0x80, v3, vm0, $0xb8;
	[tilespmem:$0x10100] =	vst v63  }
0x45: {  	s1 =	rddreg [dreg:$0xb]  }
0x46: {  	[hbm4b:s4+s3] =	stream.indirect_vreg.scatter [tilespmem:s1], [sflag:$0x1], $0x80, v3, vm0, $0xb8;
	[tilespmem:$0x10100] =	vst v63  }
0x47: {  	v3 =	vld [tilespmem:$0x20];
	_ =	sdelay $0x4  }
0x48: {  	v58 =	vshll.u32 v3, $0x2  }
0x49: {  	v3 =	vand.u32 $0x7, v3;
	v4 =	vand.u32 $0xFFFFFFE0, v58  }
0x4a: {  	v3 =	vor.u32 v3, v4  }
0x4b: {  	v4 =	vperm.xlane v3, v0;
	_ =	sdelay $0x1  }
0x4c: {  	v4 =	vadd.s32 v1, v4;
	_ =	sdelay $0x1  }
0x4d: {  	v3 =	vperm.xlane v3, v2;
	_ =	sdelay $0x1  }
0x4e: {  	s0 =	rddreg [dreg:$0xc];
	v3 =	vadd.s32 v1, v3  }
0x4f: {  	[hbm4b:s2+s3] =	stream.indirect_vreg.scatter [tilespmem:s0], [sflag:$0x1], $0x80, v4, vm0, $0xb8;
	[tilespmem:$0x10100] =	vst v63  }
0x50: {  	s1 =	rddreg [dreg:$0xd]  }
0x51: {  	[hbm4b:s4+s3] =	stream.indirect_vreg.scatter [tilespmem:s1], [sflag:$0x1], $0x80, v4, vm0, $0xb8;
	[tilespmem:$0x10100] =	vst v63  }
0x52: {  	s0 =	rddreg [dreg:$0xe]  }
0x53: {  	[hbm4b:s2+s3] =	stream.indirect_vreg.scatter [tilespmem:s0], [sflag:$0x1], $0x80, v3, vm0, $0xb8;
	[tilespmem:$0x10100] =	vst v63  }
0x54: {  	s1 =	rddreg [dreg:$0xf]  }
0x55: {  	[hbm4b:s4+s3] =	stream.indirect_vreg.scatter [tilespmem:s1], [sflag:$0x1], $0x80, v3, vm0, $0xb8;
	[tilespmem:$0x10100] =	vst v63  }
0x56: {  	v3 =	vld [tilespmem:$0x30];
	_ =	sdelay $0x4  }
0x57: {  	v59 =	vshll.u32 v3, $0x2  }
0x58: {  	v3 =	vand.u32 $0x7, v3;
	v4 =	vand.u32 $0xFFFFFFE0, v59  }
0x59: {  	v3 =	vor.u32 v3, v4  }
0x5a: {  	v4 =	vperm.xlane v3, v0;
	_ =	sdelay $0x1  }
0x5b: {  	v4 =	vadd.s32 v1, v4;
	_ =	sdelay $0x1  }
0x5c: {  	v3 =	vperm.xlane v3, v2  }
0x5d: {  	s0 =	rddreg [dreg:$0x10]  }
0x5e: {  	s1 =	rddreg [dreg:$0x11];
	v3 =	vadd.s32 v1, v3  }
0x5f: {  	[hbm4b:s2+s3] =	stream.indirect_vreg.scatter [tilespmem:s0], [sflag:$0x1], $0x80, v4, vm0, $0xb8;
	[tilespmem:$0x10100] =	vst v63  }
0x60: {  	s0 =	rddreg [dreg:$0x12]  }
0x61: {  	[hbm4b:s4+s3] =	stream.indirect_vreg.scatter [tilespmem:s1], [sflag:$0x1], $0x80, v4, vm0, $0xb8;
	[tilespmem:$0x10100] =	vst v63  }
0x62: {  	s1 =	rddreg [dreg:$0x3]  }
0x63: {  	[hbm4b:s2+s3] =	stream.indirect_vreg.scatter [tilespmem:s0], [sflag:$0x1], $0x80, v3, vm0, $0xb8;
	[tilespmem:$0x10100] =	vst v63  }
0x64: {  	s0 =	rddreg [dreg:$0x13]  }
0x65: {  	[hbm4b:s4+s3] =	stream.indirect_vreg.scatter [tilespmem:s0], [sflag:$0x1], $0x80, v3, vm0, $0xb8;
	[tilespmem:$0x10100] =	vst v63  }
0x66: {  	s1 =	sadd.s32 s31, s1  }
0x67: {  	[tilespmem:s9], [sflag:$0x3] =	stream.linear.gather [hbm4b:s1+s3], $0x40, $0x38;
	[tilespmem:$0x10100] =	vst v63  }
0x68: {  	_ =	swait.ge [sflag:s7], $0x40  }
0x69: {  	[sflag:s7] =	ssyncset.done $0x0  }
0x6a: {  	[sflag:s7] =	ssyncadd.s32 $0xFFFFFFC0  }
0x6b: {  	[tilespmem:s10], [sflag:$0x3] =	stream.linear.gather [hbm4b:s30+s3], $0x8000, $0x38;
	[tilespmem:$0x10100] =	vst v63  }
0x6c: {  	_ =	swait.ge [sflag:s7], $0x8000  }
0x6d: {  	[sflag:s7] =	ssyncset.done $0x0  }
0x6e: {  	[sflag:s7] =	ssyncadd.s32 $0xFFFF8000  }
0x6f: {  	v3 =	vld [tilespmem:$0x80];
	_ =	sdelay $0x4  }
0x70: {  	v60 =	vshll.u32 v3, $0x2  }
0x71: {  	v3 =	vand.u32 $0x7, v3;
	v4 =	vand.u32 $0xFFFFFFE0, v60  }
0x72: {  	v3 =	vor.u32 v3, v4  }
0x73: {  	v4 =	vperm.xlane v3, v0;
	_ =	sdelay $0x1  }
0x74: {  	v4 =	vadd.s32 v1, v4;
	_ =	sdelay $0x1  }
0x75: {  	v3 =	vperm.xlane v3, v2;
	_ =	sdelay $0x1  }
0x76: {  	v3 =	vadd.s32 v1, v3  }
0x77: {  	[hbm4b:s2+s3] =	stream.indirect_vreg.scatter [tilespmem:s10], [sflag:$0x2], $0x80, v4, vm0, $0xb8;
	[tilespmem:$0x10100] =	vst v63  }
0x78: {  	_ = 	snop  }
0x79: {  	[hbm4b:s4+s3] =	stream.indirect_vreg.scatter [tilespmem:s11], [sflag:$0x2], $0x80, v4, vm0, $0xb8;
	[tilespmem:$0x10100] =	vst v63  }
0x7a: {  	_ = 	snop  }
0x7b: {  	[hbm4b:s2+s3] =	stream.indirect_vreg.scatter [tilespmem:s12], [sflag:$0x2], $0x80, v3, vm0, $0xb8;
	[tilespmem:$0x10100] =	vst v63  }
0x7c: {  	_ = 	snop  }
0x7d: {  	[hbm4b:s4+s3] =	stream.indirect_vreg.scatter [tilespmem:s13], [sflag:$0x2], $0x80, v3, vm0, $0xb8;
	[tilespmem:$0x10100] =	vst v63  }
0x7e: {  	v3 =	vld [tilespmem:$0x90];
	_ =	sdelay $0x4  }
0x7f: {  	v61 =	vshll.u32 v3, $0x2  }
0x80: {  	v3 =	vand.u32 $0x7, v3;
	v4 =	vand.u32 $0xFFFFFFE0, v61  }
0x81: {  	v3 =	vor.u32 v3, v4  }
0x82: {  	v4 =	vperm.xlane v3, v0;
	_ =	sdelay $0x1  }
0x83: {  	v4 =	vadd.s32 v1, v4;
	_ =	sdelay $0x1  }
0x84: {  	v3 =	vperm.xlane v3, v2;
	_ =	sdelay $0x1  }
0x85: {  	v3 =	vadd.s32 v1, v3  }
0x86: {  	[hbm4b:s2+s3] =	stream.indirect_vreg.scatter [tilespmem:s14], [sflag:$0x2], $0x80, v4, vm0, $0xb8;
	[tilespmem:$0x10100] =	vst v63  }
0x87: {  	_ = 	snop  }
0x88: {  	[hbm4b:s4+s3] =	stream.indirect_vreg.scatter [tilespmem:s15], [sflag:$0x2], $0x80, v4, vm0, $0xb8;
	[tilespmem:$0x10100] =	vst v63  }
0x89: {  	_ = 	snop  }
0x8a: {  	[hbm4b:s2+s3] =	stream.indirect_vreg.scatter [tilespmem:s16], [sflag:$0x2], $0x80, v3, vm0, $0xb8;
	[tilespmem:$0x10100] =	vst v63  }
0x8b: {  	_ = 	snop  }
0x8c: {  	[hbm4b:s4+s3] =	stream.indirect_vreg.scatter [tilespmem:s17], [sflag:$0x2], $0x80, v3, vm0, $0xb8;
	[tilespmem:$0x10100] =	vst v63  }
0x8d: {  	v3 =	vld [tilespmem:$0xA0];
	_ =	sdelay $0x4  }
0x8e: {  	v62 =	vshll.u32 v3, $0x2  }
0x8f: {  	v3 =	vand.u32 $0x7, v3;
	v4 =	vand.u32 $0xFFFFFFE0, v62  }
0x90: {  	v3 =	vor.u32 v3, v4  }
0x91: {  	v4 =	vperm.xlane v3, v0;
	_ =	sdelay $0x1  }
0x92: {  	v4 =	vadd.s32 v1, v4;
	_ =	sdelay $0x1  }
0x93: {  	v3 =	vperm.xlane v3, v2;
	_ =	sdelay $0x1  }
0x94: {  	v3 =	vadd.s32 v1, v3  }
0x95: {  	[hbm4b:s2+s3] =	stream.indirect_vreg.scatter [tilespmem:s18], [sflag:$0x2], $0x80, v4, vm0, $0xb8;
	[tilespmem:$0x10100] =	vst v63  }
0x96: {  	_ = 	snop  }
0x97: {  	[hbm4b:s4+s3] =	stream.indirect_vreg.scatter [tilespmem:s19], [sflag:$0x2], $0x80, v4, vm0, $0xb8;
	[tilespmem:$0x10100] =	vst v63  }
0x98: {  	_ = 	snop  }
0x99: {  	[hbm4b:s2+s3] =	stream.indirect_vreg.scatter [tilespmem:s20], [sflag:$0x2], $0x80, v3, vm0, $0xb8;
	[tilespmem:$0x10100] =	vst v63  }
0x9a: {  	_ = 	snop  }
0x9b: {  	[hbm4b:s4+s3] =	stream.indirect_vreg.scatter [tilespmem:s21], [sflag:$0x2], $0x80, v3, vm0, $0xb8;
	[tilespmem:$0x10100] =	vst v63  }
0x9c: {  	v3 =	vld [tilespmem:$0xB0];
	_ =	sdelay $0x4  }
0x9d: {  	v63 =	vshll.u32 v3, $0x2  }
0x9e: {  	v3 =	vand.u32 $0x7, v3;
	v4 =	vand.u32 $0xFFFFFFE0, v63  }
0x9f: {  	v3 =	vor.u32 v3, v4  }
0xa0: {  	v4 =	vperm.xlane v3, v0;
	_ =	sdelay $0x1  }
0xa1: {  	v4 =	vadd.s32 v1, v4;
	_ =	sdelay $0x1  }
0xa2: {  	v3 =	vperm.xlane v3, v2;
	_ =	sdelay $0x1  }
0xa3: {  	v3 =	vadd.s32 v1, v3  }
0xa4: {  	[hbm4b:s2+s3] =	stream.indirect_vreg.scatter [tilespmem:s22], [sflag:$0x2], $0x80, v4, vm0, $0xb8;
	[tilespmem:$0x10100] =	vst v63  }
0xa5: {  	_ = 	snop  }
0xa6: {  	[hbm4b:s4+s3] =	stream.indirect_vreg.scatter [tilespmem:s23], [sflag:$0x2], $0x80, v4, vm0, $0xb8;
	[tilespmem:$0x10100] =	vst v63  }
0xa7: {  	_ = 	snop  }
0xa8: {  	[hbm4b:s2+s3] =	stream.indirect_vreg.scatter [tilespmem:s24], [sflag:$0x2], $0x80, v3, vm0, $0xb8;
	[tilespmem:$0x10100] =	vst v63  }
0xa9: {  	_ = 	snop  }
0xaa: {  	[hbm4b:s4+s3] =	stream.indirect_vreg.scatter [tilespmem:s25], [sflag:$0x2], $0x80, v3, vm0, $0xb8;
	[tilespmem:$0x10100] =	vst v63  }
0xab: {  	p0 =	sne.s32 s31, $0x30;
	_ =	swait.ge [sflag:s26], $0x8000  }
.Ltmp0:
0xac: {  	[sflag:s26] =	ssyncset.done $0x0;
	(pc) =	sbr.rel @p0 .LBB2_2-.Ltmp0, $4  }
0xad: {  	[sflag:s26] =	ssyncadd.s32 $0xFFFF8000  }
0xae: {  	_ =	swait.ge [sflag:s28], $0x8000  }
0xaf: {  	[sflag:s28] =	ssyncset.done $0x0  }
0xb0: {  	s31 =	sadd.s32 $0x10, s31;
	s30 =	sadd.s32 $0x2000, s30;
	[sflag:s28] =	ssyncadd.s32 $0xFFFF8000  }
0xb1: {  	s29 =	sadd.s32 $0x1, s29  }
0xb2: {  	p0 =	sne.s32 s29, s5  }
.Ltmp1:
0xb3: {  	_ = 	snop;
	(pc) =	sbr.rel @p0 .LBB2_1-.Ltmp1, $1  }
0xb4: {  	_ =	sdelay $0x3  }
0xb5: {  	_ =	sfence.sel $0x180000  }
0xb6: {  	[bflag:$0x0] =	sbarrier.arrive $0xFFFF  }
0xb7: {  	_ =	strace $0x9000004D  }
0xb8: {  	s0 =	stileid.u32;
	[bflag:$0x2] =	sbarrier.arrive $0xFFFF  }
0xb9: {  	p0 =	sne.s32 s0, $0x0;
	s0 =	rddreg [dreg:$0x2]  }
0xba: {  	s0 =	sadd.s32 @!p0 $0x100000, s0  }
0xbb: {  	[sflag:s0] =	ssyncadd.tile.s32 @!p0 $0x1;
	_ =	shalt  }
.Lfunc_end2:
_tile_overlayer_lowered:
.L_overlay_start_2:
0xbc: {  	(tag) =	ssettag $0x2  }
0xbd: {  	s0 =	rddreg [dreg:$0x0];
	s2 =	stileid.u32  }
0xbe: {  	s1 =	rddreg [dreg:$0x1];
	p0 =	sne.s32 s2, $0x0  }
0xbf: {  	s3 =	rddreg [dreg:$0x2];
	[bflag:$0x3] =	sbarrier.arrive $0xFFFF;
	s2 =	simm.s32 @!p0 $0x1C03  }
0xc0: {  	[timem:s3], [sflag:s2] =	dma.local @!p0 [hbm:s0], s1  }
0xc1: {  	s0 =	simm.s32 @!p0 $0x3  }
0xc2: {  	_ =	swait.ge @!p0 [sflag:s0], s1  }
0xc3: {  	s1 =	ssub.s32 @!p0 $0x0, s1;
	[sflag:s0] =	ssyncset.done @!p0 $0x0  }
0xc4: {  	[sflag:s0] =	ssyncadd.s32 @!p0 s1  }
0xc5: {  	[bflag:$0x3] =	sbarrier.arrive $0xFFFF  }
0xc6: {  	_ =	shalt  }

</sc_bundles>
